<compile_context>
chip_gen: v7x
topology: tpu7x:2x2x1
jax: 0.10.2.dev20260603
libtpu: 0.0.44.dev20260713+nightly
codegen_flags: <defaults>
</compile_context>

<pallas_src>
import functools

import jax
import jax.numpy as jnp
from jax import lax
from jax.experimental import pallas as pl
from jax.experimental.pallas import tpu as pltpu
from jax.experimental.pallas import tpu_sc as plsc

B = 16384
D = 64
NROWS = 100000

NC = 2
NS = 16
NW = NC * NS
BPW = B // NW


PACK_C = 12800
PACK_GRID = (NROWS + PACK_C - 1) // PACK_C


def _pack_body(gt, mt, eye_top, eye_bot, out):
    dn = (((0,), (0,)), ((), ()))
    out[...] = (
        lax.dot_general(gt[...], eye_top[...], dn,
                        preferred_element_type=jnp.float32)
        + lax.dot_general(mt[...], eye_bot[...], dn,
                          preferred_element_type=jnp.float32))


def _pack_pair(gt_T, mt_T, eye_top, eye_bot):
    in_spec = pl.BlockSpec((D, PACK_C), lambda i: (0, i))
    eye_spec = pl.BlockSpec((D, 2 * D), lambda i: (0, 0))
    return pl.pallas_call(
        _pack_body,
        grid=(PACK_GRID,),
        in_specs=[in_spec, in_spec, eye_spec, eye_spec],
        out_specs=pl.BlockSpec((PACK_C, 2 * D), lambda i: (i, 0)),
        out_shape=jax.ShapeDtypeStruct((NROWS, 2 * D), jnp.float32),
    )(gt_T, mt_T, eye_top, eye_bot)



HBW = BPW // 2


@functools.lru_cache(maxsize=1)
def _make_sc_gather1():
    mesh = plsc.VectorSubcoreMesh(
        core_axis_name="c", subcore_axis_name="s",
        num_cores=NC, num_subcores=NS)

    @functools.partial(
        pl.kernel,
        out_type=jax.ShapeDtypeStruct((B, 2 * D), jnp.float32),
        mesh=mesh,
        scratch_types=[
            pltpu.VMEM((HBW,), jnp.int32),
            pltpu.VMEM((HBW,), jnp.int32),
            pltpu.VMEM((HBW, 2 * D), jnp.float32),
            pltpu.VMEM((HBW, 2 * D), jnp.float32),
            pltpu.SemaphoreType.DMA,
            pltpu.SemaphoreType.DMA,
        ],
        compiler_params=pltpu.CompilerParams(use_tc_tiling_on_sc=True),
    )
    def sc_gather1(t_hbm, ids, out, idx0, idx1, buf0, buf1, sem0, sem1):
        wid = lax.axis_index("s") * NC + lax.axis_index("c")
        base = wid * BPW
        pltpu.sync_copy(ids.at[pl.ds(base, HBW)], idx0)
        pltpu.sync_copy(ids.at[pl.ds(base + HBW, HBW)], idx1)
        cp0 = pltpu.async_copy(t_hbm.at[idx0], buf0, sem0)
        cp1 = pltpu.async_copy(t_hbm.at[idx1], buf1, sem1)
        cp0.wait()
        pltpu.sync_copy(buf0, out.at[pl.ds(base, HBW)])
        cp1.wait()
        pltpu.sync_copy(buf1, out.at[pl.ds(base + HBW, HBW)])

    return sc_gather1



BLK = 1024
NBLK = B // BLK


def _tc_mlp_body(gu, gi, w1u, w1i, b1, w2t, b2, w3t, b3, wf, wfh, bf, out):
    f32 = jnp.float32
    b16 = jnp.bfloat16
    gur = gu[...]
    gir = gi[...]
    h1 = jnp.dot(gur.astype(b16), w1u[...], preferred_element_type=f32)
    h1 = h1 + jnp.dot(gir.astype(b16), w1i[...], preferred_element_type=f32)
    h1 = jnp.maximum(h1 + b1[...], 0.0)
    h2 = jnp.maximum(
        jnp.dot(h1.astype(b16), w2t[...], preferred_element_type=f32)
        + b2[...], 0.0)
    h3 = jnp.maximum(
        jnp.dot(h2.astype(b16), w3t[...], preferred_element_type=f32)
        + b3[...], 0.0)
    q = gur[:, :D] * gir[:, :D] * wf[:, :D]
    ql = q + h3 * wfh[...]
    out[...] = jnp.sum(ql, axis=1) + bf[0]


def _tc_mlp(gu, gi, w1u, w1i, b1, w2t, b2, w3t, b3, wf, wfh, bf):
    row_spec = pl.BlockSpec((BLK, 2 * D), lambda i: (i, 0))
    full = lambda shape: pl.BlockSpec(shape, lambda i: (0,) * len(shape))
    return pl.pallas_call(
        _tc_mlp_body,
        grid=(NBLK,),
        in_specs=[
            row_spec, row_spec,
            full((2 * D, 256)), full((2 * D, 256)), full((1, 256)),
            full((256, 128)), full((1, 128)),
            full((128, D)), full((1, D)),
            full((1, 2 * D)), full((1, D)), full((1,)),
        ],
        out_specs=pl.BlockSpec((BLK,), lambda i: (i,)),
        out_shape=jax.ShapeDtypeStruct((B,), jnp.float32),
    )(gu, gi, w1u, w1i, b1, w2t, b2, w3t, b3, wf, wfh, bf)


def kernel(gmf_user_table, gmf_item_table, mlp_user_table, mlp_item_table,
           W1, b1, W2, b2, W3, b3, Wf, bf, user_ids, item_ids):
    eye = jnp.eye(D, dtype=jnp.float32)
    zed = jnp.zeros((D, D), jnp.float32)
    eye_top = jnp.concatenate([eye, zed], axis=1)
    eye_bot = jnp.concatenate([zed, eye], axis=1)
    u_packed = _pack_pair(gmf_user_table.T, mlp_user_table.T, eye_top, eye_bot)
    i_packed = _pack_pair(gmf_item_table.T, mlp_item_table.T, eye_top, eye_bot)
    gather = _make_sc_gather1()
    gu = gather(u_packed, user_ids)
    gi = gather(i_packed, item_ids)
    z = jnp.zeros((D, 256), jnp.float32)
    w1u = jnp.concatenate([z, W1[:, :D].T], axis=0)
    w1i = jnp.concatenate([z, W1[:, D:].T], axis=0)
    wfm = jnp.concatenate(
        [Wf[:, :D], jnp.zeros((1, D), jnp.float32)], axis=1)
    bf16 = jnp.bfloat16
    return _tc_mlp(gu, gi, w1u.astype(bf16), w1i.astype(bf16),
                   b1.reshape(1, 256), W2.T.astype(bf16),
                   b2.reshape(1, 128), W3.T.astype(bf16),
                   b3.reshape(1, D), wfm, Wf[:, D:], bf)

# --- scband reference (transcript-rebuilt; emitter-appended) ---
"""Pipeline reference for scband-ncfmodel-5617817223534 (READ-ONLY COPY).

The authoritative reference and input builder live on the scoring server;
editing this copy changes nothing except your own understanding.
"""

import jax, jax.numpy as jnp
import numpy as np

NUM_USERS = 100000
NUM_ITEMS = 100000
EMBED_DIM = 64
BATCH = 16384
MLP_DIMS = [256, 128, 64]


def setup_inputs(seed: int = 0) -> dict:
    key = jax.random.key(seed)
    ks = jax.random.split(key, 16)
    user_ids = jax.random.randint(ks[0], (BATCH,), 0, NUM_USERS, dtype=jnp.int32)
    item_ids = jax.random.randint(ks[1], (BATCH,), 0, NUM_ITEMS, dtype=jnp.int32)
    # embedding tables, init N(0, 0.1)
    gmf_user_table = 0.1 * jax.random.normal(ks[2], (NUM_USERS, EMBED_DIM), dtype=jnp.float32)
    gmf_item_table = 0.1 * jax.random.normal(ks[3], (NUM_ITEMS, EMBED_DIM), dtype=jnp.float32)
    mlp_user_table = 0.1 * jax.random.normal(ks[4], (NUM_USERS, EMBED_DIM), dtype=jnp.float32)
    mlp_item_table = 0.1 * jax.random.normal(ks[5], (NUM_ITEMS, EMBED_DIM), dtype=jnp.float32)
    # MLP: 128 -> 256 -> 128 -> 64 (xavier uniform, zero bias)
    def xavier(k, fan_out, fan_in):
        limit = float(np.sqrt(6.0 / (fan_in + fan_out)))
        return jax.random.uniform(k, (fan_out, fan_in), dtype=jnp.float32, minval=-limit, maxval=limit)
    W1 = xavier(ks[6], 256, 2 * EMBED_DIM)
    b1 = jnp.zeros((256,), dtype=jnp.float32)
    W2 = xavier(ks[7], 128, 256)
    b2 = jnp.zeros((128,), dtype=jnp.float32)
    W3 = xavier(ks[8], 64, 128)
    b3 = jnp.zeros((64,), dtype=jnp.float32)
    Wf = xavier(ks[9], 1, EMBED_DIM + MLP_DIMS[-1])
    bf = jnp.zeros((1,), dtype=jnp.float32)
    return {
        "gmf_user_table": gmf_user_table,
        "gmf_item_table": gmf_item_table,
        "mlp_user_table": mlp_user_table,
        "mlp_item_table": mlp_item_table,
        "W1": W1, "b1": b1,
        "W2": W2, "b2": b2,
        "W3": W3, "b3": b3,
        "Wf": Wf, "bf": bf,
        "user_ids": user_ids,
        "item_ids": item_ids,
    }


def reference(gmf_user_table, gmf_item_table, mlp_user_table, mlp_item_table,
              W1, b1, W2, b2, W3, b3, Wf, bf, user_ids, item_ids):
    # GMF branch: elementwise product of user/item embeddings
    gmf_user_emb = jnp.take(gmf_user_table, user_ids, axis=0)
    gmf_item_emb = jnp.take(gmf_item_table, item_ids, axis=0)
    gmf_output = gmf_user_emb * gmf_item_emb
    # MLP branch
    mlp_user_emb = jnp.take(mlp_user_table, user_ids, axis=0)
    mlp_item_emb = jnp.take(mlp_item_table, item_ids, axis=0)
    h = jnp.concatenate([mlp_user_emb, mlp_item_emb], axis=1)
    h = jax.nn.relu(h @ W1.T + b1)   # dropout is identity in eval mode
    h = jax.nn.relu(h @ W2.T + b2)
    h = jax.nn.relu(h @ W3.T + b3)
    combined = jnp.concatenate([gmf_output, h], axis=1)
    output = combined @ Wf.T + bf
    return jnp.squeeze(output, axis=-1)

if __name__ == "__main__":
    import jax
    _d = setup_inputs()
    print(jax.jit(kernel)(*tuple(_d.values())))

</pallas_src>

<mosaic_0001>
#map = affine_map<(d0, d1) -> (0, 0)>
#map1 = affine_map<(d0, d1) -> (0)>
module attributes {stable_mosaic.version = 14 : i64} {
  func.func @sc_gather1(%arg0: i32, %arg1: i32, %arg2: memref<100000x128xf32, #tpu.memory_space<hbm>>, %arg3: memref<16384xi32, #tpu.memory_space<hbm>>, %arg4: memref<16384x128xf32, #tpu.memory_space<hbm>>, %arg5: memref<256xi32, #tpu.memory_space<vmem>>, %arg6: memref<256xi32, #tpu.memory_space<vmem>>, %arg7: memref<256x128xf32, #tpu.memory_space<vmem>>, %arg8: memref<256x128xf32, #tpu.memory_space<vmem>>, %arg9: memref<!tpu.dma_semaphore, #tpu.memory_space<semaphore_mem>>, %arg10: memref<!tpu.dma_semaphore, #tpu.memory_space<semaphore_mem>>) attributes {dimension_semantics = [#tpu.dimension_semantics<core_parallel>, #tpu.dimension_semantics<subcore_parallel>], iteration_bounds = array<i64: 2, 16>, scalar_prefetch = 0 : i64, scratch_operands = 6 : i64, tpu.core_type = #tpu.core_type<sc_vector_subcore>, window_params = [{transform_indices = #map}, {transform_indices = #map1}, {transform_indices = #map}]} {
    %mul3A = arith.constant 2 : i32
    %mul3A_0 = arith.muli %arg1, %mul3A : i32
    %add3A = arith.addi %mul3A_0, %arg0 : i32
    %mul3A_1 = arith.constant 512 : i32
    %mul3A_2 = arith.muli %add3A, %mul3A_1 : i32
    "tpu.region"() ({
      %run_scoped3A = tpu.sem_alloc : memref<!tpu.dma_semaphore, #tpu.memory_space<semaphore_mem>>
      %dma_start3A_17 = tpu.memref_slice %arg3[%mul3A_2] : memref<16384xi32, #tpu.memory_space<hbm>> -> memref<256xi32, #tpu.memory_space<hbm>>
      %dma_start3A_18 = tpu.memref_slice %arg3[%mul3A_2] : memref<16384xi32, #tpu.memory_space<hbm>> -> memref<256xi32, #tpu.memory_space<hbm>>
      tpu.enqueue_dma source(%dma_start3A_18 : memref<256xi32, #tpu.memory_space<hbm>>) target(%arg5 : memref<256xi32, #tpu.memory_space<vmem>>) target_semaphore(%run_scoped3A : memref<!tpu.dma_semaphore, #tpu.memory_space<semaphore_mem>>)
      %dma_wait3A_19 = tpu.memref_slice %arg3[%mul3A_2] : memref<16384xi32, #tpu.memory_space<hbm>> -> memref<256xi32, #tpu.memory_space<hbm>>
      %dma_wait3A_20 = tpu.memref_slice %arg3[%mul3A_2] : memref<16384xi32, #tpu.memory_space<hbm>> -> memref<256xi32, #tpu.memory_space<hbm>>
      tpu.wait_dma2 semaphore(%run_scoped3A : memref<!tpu.dma_semaphore, #tpu.memory_space<semaphore_mem>>) src(%dma_wait3A_20 : memref<256xi32, #tpu.memory_space<hbm>>) dst(%arg5 : memref<256xi32, #tpu.memory_space<vmem>>)
      tpu.yield
    }) : () -> ()
    %add3A_3 = arith.constant 256 : i32
    %add3A_4 = arith.addi %mul3A_2, %add3A_3 : i32
    "tpu.region"() ({
      %run_scoped3A = tpu.sem_alloc : memref<!tpu.dma_semaphore, #tpu.memory_space<semaphore_mem>>
      %dma_start3A_17 = tpu.memref_slice %arg3[%add3A_4] : memref<16384xi32, #tpu.memory_space<hbm>> -> memref<256xi32, #tpu.memory_space<hbm>>
      %dma_start3A_18 = tpu.memref_slice %arg3[%add3A_4] : memref<16384xi32, #tpu.memory_space<hbm>> -> memref<256xi32, #tpu.memory_space<hbm>>
      tpu.enqueue_dma source(%dma_start3A_18 : memref<256xi32, #tpu.memory_space<hbm>>) target(%arg6 : memref<256xi32, #tpu.memory_space<vmem>>) target_semaphore(%run_scoped3A : memref<!tpu.dma_semaphore, #tpu.memory_space<semaphore_mem>>)
      %dma_wait3A_19 = tpu.memref_slice %arg3[%add3A_4] : memref<16384xi32, #tpu.memory_space<hbm>> -> memref<256xi32, #tpu.memory_space<hbm>>
      %dma_wait3A_20 = tpu.memref_slice %arg3[%add3A_4] : memref<16384xi32, #tpu.memory_space<hbm>> -> memref<256xi32, #tpu.memory_space<hbm>>
      tpu.wait_dma2 semaphore(%run_scoped3A : memref<!tpu.dma_semaphore, #tpu.memory_space<semaphore_mem>>) src(%dma_wait3A_20 : memref<256xi32, #tpu.memory_space<hbm>>) dst(%arg6 : memref<256xi32, #tpu.memory_space<vmem>>)
      tpu.yield
    }) : () -> ()
    %dma_start3A = arith.constant 0 : i32
    %dma_start3A_5 = arith.constant 0 : i32
    %dma_start3A_6 = tpu.memref_slice %arg2[%dma_start3A, %dma_start3A_5] : memref<100000x128xf32, #tpu.memory_space<hbm>> -> memref<100000x128xf32, #tpu.memory_space<hbm>>
    tpu.enqueue_indirect_dma source(%dma_start3A_6 : memref<100000x128xf32, #tpu.memory_space<hbm>>) target(%arg7 : memref<256x128xf32, #tpu.memory_space<vmem>>) offsets(%arg5 : memref<256xi32, #tpu.memory_space<vmem>>) semaphore(%arg9 : memref<!tpu.dma_semaphore, #tpu.memory_space<semaphore_mem>>)
    %dma_start3A_7 = arith.constant 0 : i32
    %dma_start3A_8 = arith.constant 0 : i32
    %dma_start3A_9 = tpu.memref_slice %arg2[%dma_start3A_7, %dma_start3A_8] : memref<100000x128xf32, #tpu.memory_space<hbm>> -> memref<100000x128xf32, #tpu.memory_space<hbm>>
    tpu.enqueue_indirect_dma source(%dma_start3A_9 : memref<100000x128xf32, #tpu.memory_space<hbm>>) target(%arg8 : memref<256x128xf32, #tpu.memory_space<vmem>>) offsets(%arg6 : memref<256xi32, #tpu.memory_space<vmem>>) semaphore(%arg10 : memref<!tpu.dma_semaphore, #tpu.memory_space<semaphore_mem>>)
    %dma_wait3A = arith.constant 0 : i32
    %dma_wait3A_10 = arith.constant 0 : i32
    %dma_wait3A_11 = tpu.memref_slice %arg2[%dma_wait3A, %dma_wait3A_10] : memref<100000x128xf32, #tpu.memory_space<hbm>> -> memref<100000x128xf32, #tpu.memory_space<hbm>>
    tpu.wait_indirect_dma semaphore(%arg9 : memref<!tpu.dma_semaphore, #tpu.memory_space<semaphore_mem>>) src(%dma_wait3A_11 : memref<100000x128xf32, #tpu.memory_space<hbm>>) dst(%arg7 : memref<256x128xf32, #tpu.memory_space<vmem>>)
    "tpu.region"() ({
      %run_scoped3A = tpu.sem_alloc : memref<!tpu.dma_semaphore, #tpu.memory_space<semaphore_mem>>
      %dma_start3A_17 = arith.constant 0 : i32
      %dma_start3A_18 = tpu.memref_slice %arg4[%mul3A_2, %dma_start3A_17] : memref<16384x128xf32, #tpu.memory_space<hbm>> -> memref<256x128xf32, #tpu.memory_space<hbm>>
      %dma_start3A_19 = arith.constant 0 : i32
      %dma_start3A_20 = tpu.memref_slice %arg4[%mul3A_2, %dma_start3A_19] : memref<16384x128xf32, #tpu.memory_space<hbm>> -> memref<256x128xf32, #tpu.memory_space<hbm>>
      tpu.enqueue_dma source(%arg7 : memref<256x128xf32, #tpu.memory_space<vmem>>) target(%dma_start3A_20 : memref<256x128xf32, #tpu.memory_space<hbm>>) target_semaphore(%run_scoped3A : memref<!tpu.dma_semaphore, #tpu.memory_space<semaphore_mem>>)
      %dma_wait3A_21 = arith.constant 0 : i32
      %dma_wait3A_22 = tpu.memref_slice %arg4[%mul3A_2, %dma_wait3A_21] : memref<16384x128xf32, #tpu.memory_space<hbm>> -> memref<256x128xf32, #tpu.memory_space<hbm>>
      %dma_wait3A_23 = arith.constant 0 : i32
      %dma_wait3A_24 = tpu.memref_slice %arg4[%mul3A_2, %dma_wait3A_23] : memref<16384x128xf32, #tpu.memory_space<hbm>> -> memref<256x128xf32, #tpu.memory_space<hbm>>
      tpu.wait_dma2 semaphore(%run_scoped3A : memref<!tpu.dma_semaphore, #tpu.memory_space<semaphore_mem>>) src(%arg7 : memref<256x128xf32, #tpu.memory_space<vmem>>) dst(%dma_wait3A_24 : memref<256x128xf32, #tpu.memory_space<hbm>>)
      tpu.yield
    }) : () -> ()
    %dma_wait3A_12 = arith.constant 0 : i32
    %dma_wait3A_13 = arith.constant 0 : i32
    %dma_wait3A_14 = tpu.memref_slice %arg2[%dma_wait3A_12, %dma_wait3A_13] : memref<100000x128xf32, #tpu.memory_space<hbm>> -> memref<100000x128xf32, #tpu.memory_space<hbm>>
    tpu.wait_indirect_dma semaphore(%arg10 : memref<!tpu.dma_semaphore, #tpu.memory_space<semaphore_mem>>) src(%dma_wait3A_14 : memref<100000x128xf32, #tpu.memory_space<hbm>>) dst(%arg8 : memref<256x128xf32, #tpu.memory_space<vmem>>)
    %add3A_15 = arith.constant 256 : i32
    %add3A_16 = arith.addi %mul3A_2, %add3A_15 : i32
    "tpu.region"() ({
      %run_scoped3A = tpu.sem_alloc : memref<!tpu.dma_semaphore, #tpu.memory_space<semaphore_mem>>
      %dma_start3A_17 = arith.constant 0 : i32
      %dma_start3A_18 = tpu.memref_slice %arg4[%add3A_16, %dma_start3A_17] : memref<16384x128xf32, #tpu.memory_space<hbm>> -> memref<256x128xf32, #tpu.memory_space<hbm>>
      %dma_start3A_19 = arith.constant 0 : i32
      %dma_start3A_20 = tpu.memref_slice %arg4[%add3A_16, %dma_start3A_19] : memref<16384x128xf32, #tpu.memory_space<hbm>> -> memref<256x128xf32, #tpu.memory_space<hbm>>
      tpu.enqueue_dma source(%arg8 : memref<256x128xf32, #tpu.memory_space<vmem>>) target(%dma_start3A_20 : memref<256x128xf32, #tpu.memory_space<hbm>>) target_semaphore(%run_scoped3A : memref<!tpu.dma_semaphore, #tpu.memory_space<semaphore_mem>>)
      %dma_wait3A_21 = arith.constant 0 : i32
      %dma_wait3A_22 = tpu.memref_slice %arg4[%add3A_16, %dma_wait3A_21] : memref<16384x128xf32, #tpu.memory_space<hbm>> -> memref<256x128xf32, #tpu.memory_space<hbm>>
      %dma_wait3A_23 = arith.constant 0 : i32
      %dma_wait3A_24 = tpu.memref_slice %arg4[%add3A_16, %dma_wait3A_23] : memref<16384x128xf32, #tpu.memory_space<hbm>> -> memref<256x128xf32, #tpu.memory_space<hbm>>
      tpu.wait_dma2 semaphore(%run_scoped3A : memref<!tpu.dma_semaphore, #tpu.memory_space<semaphore_mem>>) src(%arg8 : memref<256x128xf32, #tpu.memory_space<vmem>>) dst(%dma_wait3A_24 : memref<256x128xf32, #tpu.memory_space<hbm>>)
      tpu.yield
    }) : () -> ()
    return
  }
}

#map = affine_map<(d0, d1) -> (0, 0)>
#map1 = affine_map<(d0, d1) -> (0)>
module attributes {stable_mosaic.version = 14 : i64} {
  func.func @sc_gather1(%arg0: i32, %arg1: i32, %arg2: memref<100000x128xf32, #tpu.memory_space<hbm>>, %arg3: memref<16384xi32, #tpu.memory_space<hbm>>, %arg4: memref<16384x128xf32, #tpu.memory_space<hbm>>, %arg5: memref<256xi32, #tpu.memory_space<vmem>>, %arg6: memref<256xi32, #tpu.memory_space<vmem>>, %arg7: memref<256x128xf32, #tpu.memory_space<vmem>>, %arg8: memref<256x128xf32, #tpu.memory_space<vmem>>, %arg9: memref<!tpu.dma_semaphore, #tpu.memory_space<semaphore_mem>>, %arg10: memref<!tpu.dma_semaphore, #tpu.memory_space<semaphore_mem>>) attributes {dimension_semantics = [#tpu.dimension_semantics<core_parallel>, #tpu.dimension_semantics<subcore_parallel>], iteration_bounds = array<i64: 2, 16>, scalar_prefetch = 0 : i64, scratch_operands = 6 : i64, tpu.core_type = #tpu.core_type<sc_vector_subcore>, window_params = [{transform_indices = #map}, {transform_indices = #map1}, {transform_indices = #map}]} {
    %mul3A = arith.constant 2 : i32
    %mul3A_0 = arith.muli %arg1, %mul3A : i32
    %add3A = arith.addi %mul3A_0, %arg0 : i32
    %mul3A_1 = arith.constant 512 : i32
    %mul3A_2 = arith.muli %add3A, %mul3A_1 : i32
    "tpu.region"() ({
      %run_scoped3A = tpu.sem_alloc : memref<!tpu.dma_semaphore, #tpu.memory_space<semaphore_mem>>
      %dma_start3A_17 = tpu.memref_slice %arg3[%mul3A_2] : memref<16384xi32, #tpu.memory_space<hbm>> -> memref<256xi32, #tpu.memory_space<hbm>>
      %dma_start3A_18 = tpu.memref_slice %arg3[%mul3A_2] : memref<16384xi32, #tpu.memory_space<hbm>> -> memref<256xi32, #tpu.memory_space<hbm>>
      tpu.enqueue_dma source(%dma_start3A_18 : memref<256xi32, #tpu.memory_space<hbm>>) target(%arg5 : memref<256xi32, #tpu.memory_space<vmem>>) target_semaphore(%run_scoped3A : memref<!tpu.dma_semaphore, #tpu.memory_space<semaphore_mem>>)
      %dma_wait3A_19 = tpu.memref_slice %arg3[%mul3A_2] : memref<16384xi32, #tpu.memory_space<hbm>> -> memref<256xi32, #tpu.memory_space<hbm>>
      %dma_wait3A_20 = tpu.memref_slice %arg3[%mul3A_2] : memref<16384xi32, #tpu.memory_space<hbm>> -> memref<256xi32, #tpu.memory_space<hbm>>
      tpu.wait_dma2 semaphore(%run_scoped3A : memref<!tpu.dma_semaphore, #tpu.memory_space<semaphore_mem>>) src(%dma_wait3A_20 : memref<256xi32, #tpu.memory_space<hbm>>) dst(%arg5 : memref<256xi32, #tpu.memory_space<vmem>>)
      tpu.yield
    }) : () -> ()
    %add3A_3 = arith.constant 256 : i32
    %add3A_4 = arith.addi %mul3A_2, %add3A_3 : i32
    "tpu.region"() ({
      %run_scoped3A = tpu.sem_alloc : memref<!tpu.dma_semaphore, #tpu.memory_space<semaphore_mem>>
      %dma_start3A_17 = tpu.memref_slice %arg3[%add3A_4] : memref<16384xi32, #tpu.memory_space<hbm>> -> memref<256xi32, #tpu.memory_space<hbm>>
      %dma_start3A_18 = tpu.memref_slice %arg3[%add3A_4] : memref<16384xi32, #tpu.memory_space<hbm>> -> memref<256xi32, #tpu.memory_space<hbm>>
      tpu.enqueue_dma source(%dma_start3A_18 : memref<256xi32, #tpu.memory_space<hbm>>) target(%arg6 : memref<256xi32, #tpu.memory_space<vmem>>) target_semaphore(%run_scoped3A : memref<!tpu.dma_semaphore, #tpu.memory_space<semaphore_mem>>)
      %dma_wait3A_19 = tpu.memref_slice %arg3[%add3A_4] : memref<16384xi32, #tpu.memory_space<hbm>> -> memref<256xi32, #tpu.memory_space<hbm>>
      %dma_wait3A_20 = tpu.memref_slice %arg3[%add3A_4] : memref<16384xi32, #tpu.memory_space<hbm>> -> memref<256xi32, #tpu.memory_space<hbm>>
      tpu.wait_dma2 semaphore(%run_scoped3A : memref<!tpu.dma_semaphore, #tpu.memory_space<semaphore_mem>>) src(%dma_wait3A_20 : memref<256xi32, #tpu.memory_space<hbm>>) dst(%arg6 : memref<256xi32, #tpu.memory_space<vmem>>)
      tpu.yield
    }) : () -> ()
    %dma_start3A = arith.constant 0 : i32
    %dma_start3A_5 = arith.constant 0 : i32
    %dma_start3A_6 = tpu.memref_slice %arg2[%dma_start3A, %dma_start3A_5] : memref<100000x128xf32, #tpu.memory_space<hbm>> -> memref<100000x128xf32, #tpu.memory_space<hbm>>
    tpu.enqueue_indirect_dma source(%dma_start3A_6 : memref<100000x128xf32, #tpu.memory_space<hbm>>) target(%arg7 : memref<256x128xf32, #tpu.memory_space<vmem>>) offsets(%arg5 : memref<256xi32, #tpu.memory_space<vmem>>) semaphore(%arg9 : memref<!tpu.dma_semaphore, #tpu.memory_space<semaphore_mem>>)
    %dma_start3A_7 = arith.constant 0 : i32
    %dma_start3A_8 = arith.constant 0 : i32
    %dma_start3A_9 = tpu.memref_slice %arg2[%dma_start3A_7, %dma_start3A_8] : memref<100000x128xf32, #tpu.memory_space<hbm>> -> memref<100000x128xf32, #tpu.memory_space<hbm>>
    tpu.enqueue_indirect_dma source(%dma_start3A_9 : memref<100000x128xf32, #tpu.memory_space<hbm>>) target(%arg8 : memref<256x128xf32, #tpu.memory_space<vmem>>) offsets(%arg6 : memref<256xi32, #tpu.memory_space<vmem>>) semaphore(%arg10 : memref<!tpu.dma_semaphore, #tpu.memory_space<semaphore_mem>>)
    %dma_wait3A = arith.constant 0 : i32
    %dma_wait3A_10 = arith.constant 0 : i32
    %dma_wait3A_11 = tpu.memref_slice %arg2[%dma_wait3A, %dma_wait3A_10] : memref<100000x128xf32, #tpu.memory_space<hbm>> -> memref<100000x128xf32, #tpu.memory_space<hbm>>
    tpu.wait_indirect_dma semaphore(%arg9 : memref<!tpu.dma_semaphore, #tpu.memory_space<semaphore_mem>>) src(%dma_wait3A_11 : memref<100000x128xf32, #tpu.memory_space<hbm>>) dst(%arg7 : memref<256x128xf32, #tpu.memory_space<vmem>>)
    "tpu.region"() ({
      %run_scoped3A = tpu.sem_alloc : memref<!tpu.dma_semaphore, #tpu.memory_space<semaphore_mem>>
      %dma_start3A_17 = arith.constant 0 : i32
      %dma_start3A_18 = tpu.memref_slice %arg4[%mul3A_2, %dma_start3A_17] : memref<16384x128xf32, #tpu.memory_space<hbm>> -> memref<256x128xf32, #tpu.memory_space<hbm>>
      %dma_start3A_19 = arith.constant 0 : i32
      %dma_start3A_20 = tpu.memref_slice %arg4[%mul3A_2, %dma_start3A_19] : memref<16384x128xf32, #tpu.memory_space<hbm>> -> memref<256x128xf32, #tpu.memory_space<hbm>>
      tpu.enqueue_dma source(%arg7 : memref<256x128xf32, #tpu.memory_space<vmem>>) target(%dma_start3A_20 : memref<256x128xf32, #tpu.memory_space<hbm>>) target_semaphore(%run_scoped3A : memref<!tpu.dma_semaphore, #tpu.memory_space<semaphore_mem>>)
      %dma_wait3A_21 = arith.constant 0 : i32
      %dma_wait3A_22 = tpu.memref_slice %arg4[%mul3A_2, %dma_wait3A_21] : memref<16384x128xf32, #tpu.memory_space<hbm>> -> memref<256x128xf32, #tpu.memory_space<hbm>>
      %dma_wait3A_23 = arith.constant 0 : i32
      %dma_wait3A_24 = tpu.memref_slice %arg4[%mul3A_2, %dma_wait3A_23] : memref<16384x128xf32, #tpu.memory_space<hbm>> -> memref<256x128xf32, #tpu.memory_space<hbm>>
      tpu.wait_dma2 semaphore(%run_scoped3A : memref<!tpu.dma_semaphore, #tpu.memory_space<semaphore_mem>>) src(%arg7 : memref<256x128xf32, #tpu.memory_space<vmem>>) dst(%dma_wait3A_24 : memref<256x128xf32, #tpu.memory_space<hbm>>)
      tpu.yield
    }) : () -> ()
    %dma_wait3A_12 = arith.constant 0 : i32
    %dma_wait3A_13 = arith.constant 0 : i32
    %dma_wait3A_14 = tpu.memref_slice %arg2[%dma_wait3A_12, %dma_wait3A_13] : memref<100000x128xf32, #tpu.memory_space<hbm>> -> memref<100000x128xf32, #tpu.memory_space<hbm>>
    tpu.wait_indirect_dma semaphore(%arg10 : memref<!tpu.dma_semaphore, #tpu.memory_space<semaphore_mem>>) src(%dma_wait3A_14 : memref<100000x128xf32, #tpu.memory_space<hbm>>) dst(%arg8 : memref<256x128xf32, #tpu.memory_space<vmem>>)
    %add3A_15 = arith.constant 256 : i32
    %add3A_16 = arith.addi %mul3A_2, %add3A_15 : i32
    "tpu.region"() ({
      %run_scoped3A = tpu.sem_alloc : memref<!tpu.dma_semaphore, #tpu.memory_space<semaphore_mem>>
      %dma_start3A_17 = arith.constant 0 : i32
      %dma_start3A_18 = tpu.memref_slice %arg4[%add3A_16, %dma_start3A_17] : memref<16384x128xf32, #tpu.memory_space<hbm>> -> memref<256x128xf32, #tpu.memory_space<hbm>>
      %dma_start3A_19 = arith.constant 0 : i32
      %dma_start3A_20 = tpu.memref_slice %arg4[%add3A_16, %dma_start3A_19] : memref<16384x128xf32, #tpu.memory_space<hbm>> -> memref<256x128xf32, #tpu.memory_space<hbm>>
      tpu.enqueue_dma source(%arg8 : memref<256x128xf32, #tpu.memory_space<vmem>>) target(%dma_start3A_20 : memref<256x128xf32, #tpu.memory_space<hbm>>) target_semaphore(%run_scoped3A : memref<!tpu.dma_semaphore, #tpu.memory_space<semaphore_mem>>)
      %dma_wait3A_21 = arith.constant 0 : i32
      %dma_wait3A_22 = tpu.memref_slice %arg4[%add3A_16, %dma_wait3A_21] : memref<16384x128xf32, #tpu.memory_space<hbm>> -> memref<256x128xf32, #tpu.memory_space<hbm>>
      %dma_wait3A_23 = arith.constant 0 : i32
      %dma_wait3A_24 = tpu.memref_slice %arg4[%add3A_16, %dma_wait3A_23] : memref<16384x128xf32, #tpu.memory_space<hbm>> -> memref<256x128xf32, #tpu.memory_space<hbm>>
      tpu.wait_dma2 semaphore(%run_scoped3A : memref<!tpu.dma_semaphore, #tpu.memory_space<semaphore_mem>>) src(%arg8 : memref<256x128xf32, #tpu.memory_space<vmem>>) dst(%dma_wait3A_24 : memref<256x128xf32, #tpu.memory_space<hbm>>)
      tpu.yield
    }) : () -> ()
    return
  }
}

module attributes {stable_mosaic.version = 14 : i64} {
  func.func @_pack_body(%arg0: i32, %arg1: memref<64x12800xf32, #tpu.memory_space<vmem>>, %arg2: memref<64x12800xf32, #tpu.memory_space<vmem>>, %arg3: memref<64x128xf32, #tpu.memory_space<vmem>>, %arg4: memref<64x128xf32, #tpu.memory_space<vmem>>, %arg5: memref<12800x128xf32, #tpu.memory_space<vmem>>) attributes {dimension_semantics = [#tpu.dimension_semantics<arbitrary>], iteration_bounds = array<i64: 8>, scalar_prefetch = 0 : i64, scratch_operands = 0 : i64, tpu.core_type = #tpu.core_type<tc>, window_params = [{transform_indices = @transform_0, window_bounds = array<i64: 64, 12800>}, {transform_indices = @transform_1, window_bounds = array<i64: 64, 12800>}, {pipeline_mode = #tpu.pipeline_mode<synchronous>, transform_indices = @transform_2, window_bounds = array<i64: 64, 128>}, {pipeline_mode = #tpu.pipeline_mode<synchronous>, transform_indices = @transform_3, window_bounds = array<i64: 64, 128>}, {transform_indices = @transform_4, window_bounds = array<i64: 12800, 128>}]} {
    %get3A = arith.constant 0 : index
    %get3A_0 = arith.constant 0 : index
    %get3A_1 = vector.load %arg1[%get3A, %get3A_0] : memref<64x12800xf32, #tpu.memory_space<vmem>>, vector<64x12800xf32>
    %get3A_2 = arith.constant 0 : index
    %get3A_3 = arith.constant 0 : index
    %get3A_4 = vector.load %arg3[%get3A_2, %get3A_3] : memref<64x128xf32, #tpu.memory_space<vmem>>, vector<64x128xf32>
    %dot_general3A = arith.constant dense<0.000000e+00> : vector<12800x128xf32>
    %dot_general3A_5 = tpu.matmul %get3A_1, %get3A_4, %dot_general3A {dimension_numbers = #tpu.dot_dimension_numbers<[0], [0], [1], [1], [0, 1, 1, 1], [], []>, transpose_lhs_hint = false} : vector<64x12800xf32>, vector<64x128xf32>, vector<12800x128xf32> -> vector<12800x128xf32>
    %get3A_6 = arith.constant 0 : index
    %get3A_7 = arith.constant 0 : index
    %get3A_8 = vector.load %arg2[%get3A_6, %get3A_7] : memref<64x12800xf32, #tpu.memory_space<vmem>>, vector<64x12800xf32>
    %get3A_9 = arith.constant 0 : index
    %get3A_10 = arith.constant 0 : index
    %get3A_11 = vector.load %arg4[%get3A_9, %get3A_10] : memref<64x128xf32, #tpu.memory_space<vmem>>, vector<64x128xf32>
    %dot_general3A_12 = arith.constant dense<0.000000e+00> : vector<12800x128xf32>
    %dot_general3A_13 = tpu.matmul %get3A_8, %get3A_11, %dot_general3A_12 {dimension_numbers = #tpu.dot_dimension_numbers<[0], [0], [1], [1], [0, 1, 1, 1], [], []>, transpose_lhs_hint = false} : vector<64x12800xf32>, vector<64x128xf32>, vector<12800x128xf32> -> vector<12800x128xf32>
    %add3A = arith.addf %dot_general3A_5, %dot_general3A_13 : vector<12800x128xf32>
    %swap3A = arith.constant 0 : index
    %swap3A_14 = arith.constant 0 : index
    %swap3A_15 = vector.load %arg5[%swap3A, %swap3A_14] : memref<12800x128xf32, #tpu.memory_space<vmem>>, vector<12800x128xf32>
    tpu.vector_store %arg5[%swap3A, %swap3A_14], %add3A {strides = array<i32>} : memref<12800x128xf32, #tpu.memory_space<vmem>>, vector<12800x128xf32>,
    return
  }
  func.func @transform_0(%arg0: i32) -> (i32, i32) {
    %c0_i32 = arith.constant 0 : i32
    %c0_i32_0 = arith.constant 0 : i32
    return %c0_i32, %arg0 : i32, i32
  }
  func.func @transform_1(%arg0: i32) -> (i32, i32) {
    %c0_i32 = arith.constant 0 : i32
    %c0_i32_0 = arith.constant 0 : i32
    return %c0_i32, %arg0 : i32, i32
  }
  func.func @transform_2(%arg0: i32) -> (i32, i32) {
    %c0_i32 = arith.constant 0 : i32
    %c0_i32_0 = arith.constant 0 : i32
    %c0_i32_1 = arith.constant 0 : i32
    return %c0_i32, %c0_i32_0 : i32, i32
  }
  func.func @transform_3(%arg0: i32) -> (i32, i32) {
    %c0_i32 = arith.constant 0 : i32
    %c0_i32_0 = arith.constant 0 : i32
    %c0_i32_1 = arith.constant 0 : i32
    return %c0_i32, %c0_i32_0 : i32, i32
  }
  func.func @transform_4(%arg0: i32) -> (i32, i32) {
    %c0_i32 = arith.constant 0 : i32
    %c0_i32_0 = arith.constant 0 : i32
    return %arg0, %c0_i32 : i32, i32
  }
}

module attributes {stable_mosaic.version = 14 : i64} {
  func.func @_tc_mlp_body(%arg0: i32, %arg1: memref<1024x128xf32, #tpu.memory_space<vmem>>, %arg2: memref<1024x128xf32, #tpu.memory_space<vmem>>, %arg3: memref<128x256xbf16, #tpu.memory_space<vmem>>, %arg4: memref<128x256xbf16, #tpu.memory_space<vmem>>, %arg5: memref<1x256xf32, #tpu.memory_space<vmem>>, %arg6: memref<256x128xbf16, #tpu.memory_space<vmem>>, %arg7: memref<1x128xf32, #tpu.memory_space<vmem>>, %arg8: memref<128x64xbf16, #tpu.memory_space<vmem>>, %arg9: memref<1x64xf32, #tpu.memory_space<vmem>>, %arg10: memref<1x128xf32, #tpu.memory_space<vmem>>, %arg11: memref<1x64xf32, #tpu.memory_space<vmem>>, %arg12: memref<1xf32, #tpu.memory_space<vmem>>, %arg13: memref<1024xf32, #tpu.memory_space<vmem>>) attributes {dimension_semantics = [#tpu.dimension_semantics<arbitrary>], iteration_bounds = array<i64: 16>, scalar_prefetch = 0 : i64, scratch_operands = 0 : i64, tpu.core_type = #tpu.core_type<tc>, window_params = [{transform_indices = @transform_0, window_bounds = array<i64: 1024, 128>}, {transform_indices = @transform_1, window_bounds = array<i64: 1024, 128>}, {pipeline_mode = #tpu.pipeline_mode<synchronous>, transform_indices = @transform_2, window_bounds = array<i64: 128, 256>}, {pipeline_mode = #tpu.pipeline_mode<synchronous>, transform_indices = @transform_3, window_bounds = array<i64: 128, 256>}, {pipeline_mode = #tpu.pipeline_mode<synchronous>, transform_indices = @transform_4, window_bounds = array<i64: 1, 256>}, {pipeline_mode = #tpu.pipeline_mode<synchronous>, transform_indices = @transform_5, window_bounds = array<i64: 256, 128>}, {pipeline_mode = #tpu.pipeline_mode<synchronous>, transform_indices = @transform_6, window_bounds = array<i64: 1, 128>}, {pipeline_mode = #tpu.pipeline_mode<synchronous>, transform_indices = @transform_7, window_bounds = array<i64: 128, 64>}, {pipeline_mode = #tpu.pipeline_mode<synchronous>, transform_indices = @transform_8, window_bounds = array<i64: 1, 64>}, {pipeline_mode = #tpu.pipeline_mode<synchronous>, transform_indices = @transform_9, window_bounds = array<i64: 1, 128>}, {pipeline_mode = #tpu.pipeline_mode<synchronous>, transform_indices = @transform_10, window_bounds = array<i64: 1, 64>}, {pipeline_mode = #tpu.pipeline_mode<synchronous>, transform_indices = @transform_11, window_bounds = array<i64: 1>}, {transform_indices = @transform_12, window_bounds = array<i64: 1024>}]} {
    %get3A = arith.constant 0 : index
    %get3A_0 = arith.constant 0 : index
    %get3A_1 = vector.load %arg1[%get3A, %get3A_0] : memref<1024x128xf32, #tpu.memory_space<vmem>>, vector<1024x128xf32>
    %get3A_2 = arith.constant 0 : index
    %get3A_3 = arith.constant 0 : index
    %get3A_4 = vector.load %arg2[%get3A_2, %get3A_3] : memref<1024x128xf32, #tpu.memory_space<vmem>>, vector<1024x128xf32>
    %convert_element_type3A = arith.truncf %get3A_1 : vector<1024x128xf32> to vector<1024x128xbf16>
    %get3A_5 = arith.constant 0 : index
    %get3A_6 = arith.constant 0 : index
    %get3A_7 = vector.load %arg3[%get3A_5, %get3A_6] : memref<128x256xbf16, #tpu.memory_space<vmem>>, vector<128x256xbf16>
    %dot_general3A = arith.constant dense<0.000000e+00> : vector<1024x256xf32>
    %dot_general3A_8 = tpu.matmul %convert_element_type3A, %get3A_7, %dot_general3A {dimension_numbers = #tpu.dot_dimension_numbers<[1], [0], [0], [1], [0, 0, 1, 1], [], []>, transpose_lhs_hint = false} : vector<1024x128xbf16>, vector<128x256xbf16>, vector<1024x256xf32> -> vector<1024x256xf32>
    %convert_element_type3A_9 = arith.truncf %get3A_4 : vector<1024x128xf32> to vector<1024x128xbf16>
    %get3A_10 = arith.constant 0 : index
    %get3A_11 = arith.constant 0 : index
    %get3A_12 = vector.load %arg4[%get3A_10, %get3A_11] : memref<128x256xbf16, #tpu.memory_space<vmem>>, vector<128x256xbf16>
    %dot_general3A_13 = arith.constant dense<0.000000e+00> : vector<1024x256xf32>
    %dot_general3A_14 = tpu.matmul %convert_element_type3A_9, %get3A_12, %dot_general3A_13 {dimension_numbers = #tpu.dot_dimension_numbers<[1], [0], [0], [1], [0, 0, 1, 1], [], []>, transpose_lhs_hint = false} : vector<1024x128xbf16>, vector<128x256xbf16>, vector<1024x256xf32> -> vector<1024x256xf32>
    %add3A = arith.addf %dot_general3A_8, %dot_general3A_14 : vector<1024x256xf32>
    %get3A_15 = arith.constant 0 : index
    %get3A_16 = arith.constant 0 : index
    %get3A_17 = vector.load %arg5[%get3A_15, %get3A_16] : memref<1x256xf32, #tpu.memory_space<vmem>>, vector<1x256xf32>
    %add3A_18 = vector.broadcast %get3A_17 : vector<1x256xf32> to vector<1024x256xf32>
    %add3A_19 = arith.addf %add3A, %add3A_18 : vector<1024x256xf32>
    %max3A = arith.constant 0.000000e+00 : f32
    %max3A_20 = vector.broadcast %max3A : f32 to vector<1024x256xf32>
    %max3A_21 = arith.maximumf %add3A_19, %max3A_20 : vector<1024x256xf32>
    %convert_element_type3A_22 = arith.truncf %max3A_21 : vector<1024x256xf32> to vector<1024x256xbf16>
    %get3A_23 = arith.constant 0 : index
    %get3A_24 = arith.constant 0 : index
    %get3A_25 = vector.load %arg6[%get3A_23, %get3A_24] : memref<256x128xbf16, #tpu.memory_space<vmem>>, vector<256x128xbf16>
    %dot_general3A_26 = arith.constant dense<0.000000e+00> : vector<1024x128xf32>
    %dot_general3A_27 = tpu.matmul %convert_element_type3A_22, %get3A_25, %dot_general3A_26 {dimension_numbers = #tpu.dot_dimension_numbers<[1], [0], [0], [1], [0, 0, 1, 1], [], []>, transpose_lhs_hint = false} : vector<1024x256xbf16>, vector<256x128xbf16>, vector<1024x128xf32> -> vector<1024x128xf32>
    %get3A_28 = arith.constant 0 : index
    %get3A_29 = arith.constant 0 : index
    %get3A_30 = vector.load %arg7[%get3A_28, %get3A_29] : memref<1x128xf32, #tpu.memory_space<vmem>>, vector<1x128xf32>
    %add3A_31 = vector.broadcast %get3A_30 : vector<1x128xf32> to vector<1024x128xf32>
    %add3A_32 = arith.addf %dot_general3A_27, %add3A_31 : vector<1024x128xf32>
    %max3A_33 = arith.constant 0.000000e+00 : f32
    %max3A_34 = vector.broadcast %max3A_33 : f32 to vector<1024x128xf32>
    %max3A_35 = arith.maximumf %add3A_32, %max3A_34 : vector<1024x128xf32>
    %convert_element_type3A_36 = arith.truncf %max3A_35 : vector<1024x128xf32> to vector<1024x128xbf16>
    %get3A_37 = arith.constant 0 : index
    %get3A_38 = arith.constant 0 : index
    %get3A_39 = vector.load %arg8[%get3A_37, %get3A_38] : memref<128x64xbf16, #tpu.memory_space<vmem>>, vector<128x64xbf16>
    %dot_general3A_40 = arith.constant dense<0.000000e+00> : vector<1024x64xf32>
    %dot_general3A_41 = tpu.matmul %convert_element_type3A_36, %get3A_39, %dot_general3A_40 {dimension_numbers = #tpu.dot_dimension_numbers<[1], [0], [0], [1], [0, 0, 1, 1], [], []>, transpose_lhs_hint = false} : vector<1024x128xbf16>, vector<128x64xbf16>, vector<1024x64xf32> -> vector<1024x64xf32>
    %get3A_42 = arith.constant 0 : index
    %get3A_43 = arith.constant 0 : index
    %get3A_44 = vector.load %arg9[%get3A_42, %get3A_43] : memref<1x64xf32, #tpu.memory_space<vmem>>, vector<1x64xf32>
    %add3A_45 = vector.broadcast %get3A_44 : vector<1x64xf32> to vector<1024x64xf32>
    %add3A_46 = arith.addf %dot_general3A_41, %add3A_45 : vector<1024x64xf32>
    %max3A_47 = arith.constant 0.000000e+00 : f32
    %max3A_48 = vector.broadcast %max3A_47 : f32 to vector<1024x64xf32>
    %max3A_49 = arith.maximumf %add3A_46, %max3A_48 : vector<1024x64xf32>
    %slice3A = vector.extract_strided_slice %get3A_1 {offsets = [0, 0], sizes = [1024, 64], strides = [1, 1]} : vector<1024x128xf32> to vector<1024x64xf32>
    %slice3A_50 = vector.extract_strided_slice %get3A_4 {offsets = [0, 0], sizes = [1024, 64], strides = [1, 1]} : vector<1024x128xf32> to vector<1024x64xf32>
    %mul3A = arith.mulf %slice3A, %slice3A_50 : vector<1024x64xf32>
    %get3A_51 = arith.constant 0 : index
    %get3A_52 = arith.constant 0 : index
    %get3A_53 = vector.load %arg10[%get3A_51, %get3A_52] : memref<1x128xf32, #tpu.memory_space<vmem>>, vector<1x64xf32>
    %mul3A_54 = vector.broadcast %get3A_53 : vector<1x64xf32> to vector<1024x64xf32>
    %mul3A_55 = arith.mulf %mul3A, %mul3A_54 : vector<1024x64xf32>
    %get3A_56 = arith.constant 0 : index
    %get3A_57 = arith.constant 0 : index
    %get3A_58 = vector.load %arg11[%get3A_56, %get3A_57] : memref<1x64xf32, #tpu.memory_space<vmem>>, vector<1x64xf32>
    %mul3A_59 = vector.broadcast %get3A_58 : vector<1x64xf32> to vector<1024x64xf32>
    %mul3A_60 = arith.mulf %max3A_49, %mul3A_59 : vector<1024x64xf32>
    %add3A_61 = arith.addf %mul3A_55, %mul3A_60 : vector<1024x64xf32>
    %reduce_sum3A = arith.constant dense<0.000000e+00> : vector<1024xf32>
    %reduce_sum3A_62 = vector.multi_reduction <add>, %add3A_61, %reduce_sum3A [1] : vector<1024x64xf32> to vector<1024xf32>
    %get3A_63 = arith.constant 0 : index
    %get3A_64 = vector.load %arg12[%get3A_63] : memref<1xf32, #tpu.memory_space<vmem>>, vector<1xf32>
    %get3A_65 = vector.extract %get3A_64[0] : f32 from vector<1xf32>
    %add3A_66 = vector.broadcast %get3A_65 : f32 to vector<1024xf32>
    %add3A_67 = arith.addf %reduce_sum3A_62, %add3A_66 : vector<1024xf32>
    %swap3A = arith.constant 0 : index
    %swap3A_68 = vector.load %arg13[%swap3A] : memref<1024xf32, #tpu.memory_space<vmem>>, vector<1024xf32>
    tpu.vector_store %arg13[%swap3A], %add3A_67 {strides = array<i32>} : memref<1024xf32, #tpu.memory_space<vmem>>, vector<1024xf32>,
    return
  }
  func.func @transform_0(%arg0: i32) -> (i32, i32) {
    %c0_i32 = arith.constant 0 : i32
    %c0_i32_0 = arith.constant 0 : i32
    return %arg0, %c0_i32 : i32, i32
  }
  func.func @transform_1(%arg0: i32) -> (i32, i32) {
    %c0_i32 = arith.constant 0 : i32
    %c0_i32_0 = arith.constant 0 : i32
    return %arg0, %c0_i32 : i32, i32
  }
  func.func @transform_2(%arg0: i32) -> (i32, i32) {
    %c0_i32 = arith.constant 0 : i32
    %c0_i32_0 = arith.constant 0 : i32
    %c0_i32_1 = arith.constant 0 : i32
    return %c0_i32, %c0_i32_0 : i32, i32
  }
  func.func @transform_3(%arg0: i32) -> (i32, i32) {
    %c0_i32 = arith.constant 0 : i32
    %c0_i32_0 = arith.constant 0 : i32
    %c0_i32_1 = arith.constant 0 : i32
    return %c0_i32, %c0_i32_0 : i32, i32
  }
  func.func @transform_4(%arg0: i32) -> (i32, i32) {
    %c0_i32 = arith.constant 0 : i32
    %c0_i32_0 = arith.constant 0 : i32
    %c0_i32_1 = arith.constant 0 : i32
    return %c0_i32, %c0_i32_0 : i32, i32
  }
  func.func @transform_5(%arg0: i32) -> (i32, i32) {
    %c0_i32 = arith.constant 0 : i32
    %c0_i32_0 = arith.constant 0 : i32
    %c0_i32_1 = arith.constant 0 : i32
    return %c0_i32, %c0_i32_0 : i32, i32
  }
  func.func @transform_6(%arg0: i32) -> (i32, i32) {
    %c0_i32 = arith.constant 0 : i32
    %c0_i32_0 = arith.constant 0 : i32
    %c0_i32_1 = arith.constant 0 : i32
    return %c0_i32, %c0_i32_0 : i32, i32
  }
  func.func @transform_7(%arg0: i32) -> (i32, i32) {
    %c0_i32 = arith.constant 0 : i32
    %c0_i32_0 = arith.constant 0 : i32
    %c0_i32_1 = arith.constant 0 : i32
    return %c0_i32, %c0_i32_0 : i32, i32
  }
  func.func @transform_8(%arg0: i32) -> (i32, i32) {
    %c0_i32 = arith.constant 0 : i32
    %c0_i32_0 = arith.constant 0 : i32
    %c0_i32_1 = arith.constant 0 : i32
    return %c0_i32, %c0_i32_0 : i32, i32
  }
  func.func @transform_9(%arg0: i32) -> (i32, i32) {
    %c0_i32 = arith.constant 0 : i32
    %c0_i32_0 = arith.constant 0 : i32
    %c0_i32_1 = arith.constant 0 : i32
    return %c0_i32, %c0_i32_0 : i32, i32
  }
  func.func @transform_10(%arg0: i32) -> (i32, i32) {
    %c0_i32 = arith.constant 0 : i32
    %c0_i32_0 = arith.constant 0 : i32
    %c0_i32_1 = arith.constant 0 : i32
    return %c0_i32, %c0_i32_0 : i32, i32
  }
  func.func @transform_11(%arg0: i32) -> i32 {
    %c0_i32 = arith.constant 0 : i32
    %c0_i32_0 = arith.constant 0 : i32
    return %c0_i32 : i32
  }
  func.func @transform_12(%arg0: i32) -> i32 {
    %c0_i32 = arith.constant 0 : i32
    return %arg0 : i32
  }
}

</mosaic_0001>

<sc_bundles>
// kernel: kernel.10.cloned.1.call-start
scs
__scs_entry_jumppad:
0x0: {  	(pc) =	sbr.rel $0x88, $3  }
0x1: {  	(tag) =	ssettag $0x0;
	lr =	simm.s32 $0x1  }
0x2: {  	[smem:$0x3F93] =	sst lr;
	_ =	strace $0xD0000000  }
0x3: {  	_ = 	snop  }
0x4: {  	_ = 	snop  }
0x5: {  	_ = 	snop  }
0x6: {  	_ = 	snop  }
0x7: {  	_ = 	snop  }
__scs_overlays_trampoline_lowered:
0x8: {  	[smem:$0x3FA2] =	sst s0  }
0x9: {  	[smem:$0x3FA3] =	sst s1  }
0xa: {  	[smem:$0x3FA4] =	sst s2  }
0xb: {  	[smem:$0x3FA5] =	sst s3  }
0xc: {  	[smem:$0x3FA6] =	sst s4  }
0xd: {  	[smem:$0x3FA7] =	sst s5  }
0xe: {  	[smem:$0x3FA8] =	sst s6  }
0xf: {  	[smem:$0x3FA9] =	sst s7  }
0x10: {  	[smem:$0x3FAA] =	sst s8  }
0x11: {  	[smem:$0x3FAB] =	sst s9;
	s0 =	simm.s32 @!p0 $0x0  }
0x12: {  	s1 =	sld [smem:$0x3F91];
	s0 =	simm.s32 @p0 $0x1  }
0x13: {  	[smem:$0x3FAC] =	sst s0;
	s0 =	simm.s32 @!p1 $0x0  }
0x14: {  	s2 =	sld [smem:$0x3F90];
	s0 =	simm.s32 @p1 $0x1  }
0x15: {  	[smem:$0x3FAD] =	sst s0;
	s0 =	simm.s32 @!p2 $0x0  }
0x16: {  	s3 =	sld [smem:$0x3FDB];
	s0 =	simm.s32 @p2 $0x1  }
0x17: {  	s4 =	simm.s32 $0x1BF5;
	[smem:$0x3FAF] =	sst s0  }
0x18: {  	s0 =	sld [smem:$0x3F92];
	_ =	swait.ge [sflag:s4], $0x0  }
0x19: {  	s7 =	sld [smem:$0x3F93]  }
0x1a: {  	s8 =	sadd.s32 $0xFFFFE003, lr  }
0x1b: {  	s9 =	sadd.s32 $0xFFFFFEF7, lr;
	s5 =	simm.s32 $0xFFFFFFFF;
	p2 =	slt.u32 s8, $0xFFFFF086  }
0x1c: {  	p1 =	slt.u32 s9, $0xF7A;
	s5 =	simm.s32 @!p2 $0x0  }
0x1d: {  	s5 =	simm.s32 @p1 $0x1;
	p0 =	seq.s32 s7, s2  }
0x1e: {  	s7 =	smul.u32 @!p0 $0xF7A, s2;
	p2 =	seq.s32 @!p0 s5, $0x0  }
0x1f: {  	s9 =	smul.u32 $0xF7A, s1;
	s8 =	simm.s32 @!p0 $0x1BF5;
	p2 =	por !p2, p0  }
0x20: {  	[sflag:s8] =	ssyncset.s32 @!p0 $0xFFFFF086;
	s6 =	sadd.s32 @!p0 s3, s7;
	s7 =	simm.s32 @!p0 $0x108  }
0x21: {  	s3 =	sadd.s32 s3, s9;
	s6 =	sadd.s32 @!p0 $0x88, s6;
	s7 =	simm.s32 @p2 $0x1082  }
0x22: {  	[simem:s7], [sflag:s8] =	dma.local @!p0 [hbm:s6], $0xF7A  }
0x23: {  	s9 =	sor.u32 $0xD0000000, s2;
	s6 =	simm.s32 $0x108;
	_ =	swait.ge @!p0 [sflag:s8], $0x0  }
0x24: {  	s3 =	sadd.s32 $0x88, s3;
	s6 =	simm.s32 @!p1 $0x1082;
	[sflag:s4] =	ssyncset.s32 $0xFFFFF086  }
0x25: {  	[simem:s6], [sflag:s4] =	dma.local [hbm:s3], $0xF7A  }
0x26: {  	[smem:$0x3F93] =	sst s1;
	(tag) =	ssettag s2;
	_ =	strace s9  }
0x27: {  	s1 =	sld [smem:$0x3FA3]  }
0x28: {  	s2 =	sld [smem:$0x3FA4]  }
0x29: {  	s4 =	sld [smem:$0x3FA6]  }
0x2a: {  	p0 =	seq.s32 s5, $0x0;
	s5 =	sld [smem:$0x3FA7]  }
0x2b: {  	s6 =	sld [smem:$0x3FA8]  }
0x2c: {  	s7 =	sld [smem:$0x3FA9]  }
0x2d: {  	s3 =	simm.s32 $0x108;
	s8 =	sld [smem:$0x3FAA]  }
0x2e: {  	s3 =	simm.s32 @!p0 $0x1082;
	s9 =	sld [smem:$0x3FAB]  }
0x2f: {  	lr =	sadd.s32 s0, s3;
	s0 =	sld [smem:$0x3FA2]  }
0x30: {  	s3 =	sld [smem:$0x3FA5]  }
0x31: {  	[smem:$0x3FAE] =	sst s10  }
0x32: {  	s10 =	sld [smem:$0x3FAC];
	_ =	sdelay $0x3  }
0x33: {  	p0 =	seq.s32 s10, $0x1;
	s10 =	sld [smem:$0x3FAE];
	_ =	sdelay $0x3  }
0x34: {  	[smem:$0x3FAE] =	sst s10  }
0x35: {  	s10 =	sld [smem:$0x3FAD];
	_ =	sdelay $0x3  }
0x36: {  	p1 =	seq.s32 s10, $0x1;
	s10 =	sld [smem:$0x3FAE];
	_ =	sdelay $0x3  }
0x37: {  	[smem:$0x3FAE] =	sst s10  }
0x38: {  	s10 =	sld [smem:$0x3FAF]  }
0x39: {  	_ = 	snop;
	(pc) =	sbr.ind lr, $3  }
0x3a: {  	_ = 	snop  }
0x3b: {  	_ = 	snop  }
0x3c: {  	p2 =	seq.s32 s10, $0x1;
	s10 =	sld [smem:$0x3FAE]  }
0x3d: {  	_ =	shalt  }
0x3e: {  	_ =	shalt  }
0x3f: {  	_ =	shalt  }
0x40: {  	_ =	shalt  }
0x41: {  	_ =	shalt  }
0x42: {  	_ =	shalt  }
0x43: {  	_ =	shalt  }
0x44: {  	_ =	shalt  }
0x45: {  	_ =	shalt  }
0x46: {  	_ =	shalt  }
0x47: {  	_ =	shalt  }
0x48: {  	_ =	shalt  }
0x49: {  	_ =	shalt  }
0x4a: {  	_ =	shalt  }
0x4b: {  	_ =	shalt  }
0x4c: {  	_ =	shalt  }
0x4d: {  	_ =	shalt  }
0x4e: {  	_ =	shalt  }
0x4f: {  	_ =	shalt  }
0x50: {  	_ =	shalt  }
0x51: {  	_ =	shalt  }
0x52: {  	_ =	shalt  }
0x53: {  	_ =	shalt  }
0x54: {  	_ =	shalt  }
0x55: {  	_ =	shalt  }
0x56: {  	_ =	shalt  }
0x57: {  	_ =	shalt  }
0x58: {  	_ =	shalt  }
0x59: {  	_ =	shalt  }
0x5a: {  	_ =	shalt  }
0x5b: {  	_ =	shalt  }
0x5c: {  	_ =	shalt  }
0x5d: {  	_ =	shalt  }
0x5e: {  	_ =	shalt  }
0x5f: {  	_ =	shalt  }
0x60: {  	_ =	shalt  }
0x61: {  	_ =	shalt  }
0x62: {  	_ =	shalt  }
0x63: {  	_ =	shalt  }
0x64: {  	_ =	shalt  }
0x65: {  	_ =	shalt  }
0x66: {  	_ =	shalt  }
0x67: {  	_ =	shalt  }
0x68: {  	_ =	shalt  }
0x69: {  	_ =	shalt  }
0x6a: {  	_ =	shalt  }
0x6b: {  	_ =	shalt  }
0x6c: {  	_ =	shalt  }
0x6d: {  	_ =	shalt  }
0x6e: {  	_ =	shalt  }
0x6f: {  	_ =	shalt  }
0x70: {  	_ =	shalt  }
0x71: {  	_ =	shalt  }
0x72: {  	_ =	shalt  }
0x73: {  	_ =	shalt  }
0x74: {  	_ =	shalt  }
0x75: {  	_ =	shalt  }
0x76: {  	_ =	shalt  }
0x77: {  	_ =	shalt  }
0x78: {  	_ =	shalt  }
0x79: {  	_ =	shalt  }
0x7a: {  	_ =	shalt  }
0x7b: {  	_ =	shalt  }
0x7c: {  	_ =	shalt  }
0x7d: {  	_ =	shalt  }
0x7e: {  	_ =	shalt  }
0x7f: {  	_ =	shalt  }
0x80: {  	_ =	shalt  }
0x81: {  	_ =	shalt  }
0x82: {  	_ =	shalt  }
0x83: {  	_ =	shalt  }
0x84: {  	_ =	shalt  }
0x85: {  	_ =	shalt  }
0x86: {  	_ =	shalt  }
0x87: {  	_ =	shalt  }
.Lfunc_end0:
.L_simem_size_0:
called_computation.1_lowered:
.L_overlay_start_0:
0x88: {  	s2 =	sld [smem:$0x3FD9]  }
0x89: {  	s3 =	sld [smem:$0x3FFE];
	_ =	sdelay $0x1  }
0x8a: {  	s1 =	srdreg.scid  }
0x8b: {  	s0 =	sand.u32 $0x1, s1  }
0x8c: {  	s17 =	sshll.u32 s0, $0xA;
	s2 =	sadd.s32 s3, s2  }
0x8d: {  	s2 =	sadd.s32 s2, s17  }
0x8e: {  	[smem:$0x3FBA] =	sst s2  }
0x8f: {  	_ = 	snop  }
0x90: {  	s2 =	sld [smem:$0x3FBC];
	(tm) =	ssettm $0x1  }
0x91: {  	s18 =	sld [smem:$0x3FFB];
	_ =	sdelay $0x3  }
0x92: {  	_ =	strace s18  }
0x93: {  	s3 =	sld [smem:$0x3FFC];
	_ =	sdelay $0x3  }
0x94: {  	_ =	strace s3  }
0x95: {  	s3 =	sld [smem:$0x3FFD];
	_ =	sdelay $0x3  }
0x96: {  	_ =	strace s3  }
0x97: {  	_ =	strace $0x8FFFFFFF  }
0x98: {  	s19 =	sld [smem:$0x3FDB];
	_ =	sdelay $0x1  }
0x99: {  	s4 =	simm.s32 $_scs_section_size  }
0x9a: {  	s5 =	simm.s32 $_size__tile_overlayer_lowered;
	s6 =	simm.s32 $_tile_overlayer_lowered  }
0x9b: {  	s22 =	simm.s32 $0x1BFF;
	s21 =	sshll.u32 s6, $0x1;
	s3 =	sadd.s32 s4, s19  }
0x9c: {  	s7 =	simm.s32 $0x0;
	s20 =	sshll.u32 s5, $0x1;
	s5 =	sadd.s32 s21, s3  }
0x9d: {  	[timem:s7], [sflag:s22] =	dma.local [hbm:s5], s20  }
0x9e: {  	_ =	swait.ge [sflag:s22], s20  }
0x9f: {  	s4 =	ssub.s32 $0x0, s20;
	[sflag:s22] =	ssyncset.done $0x0  }
0xa0: {  	[sflag:s22] =	ssyncadd.s32 s4;
	_ =	sdelay $0x1  }
0xa1: {  	s23 =	simm.s32 $0x1B8B  }
0xa2: {  	_ =	swait.ge [sflag:s23], $0x1  }
0xa3: {  	[sflag:s23] =	ssyncset.done $0x0  }
0xa4: {  	s25 =	simm.s32 $0x1B8E;
	s24 =	sld [smem:$0x3FFE];
	[sflag:s23] =	ssyncadd.s32 $0xFFFFFFFF  }
0xa5: {  	s26 =	simm.s32 $execute0_lowered;
	[smem:$0x3FD2] =	sst s25  }
0xa6: {  	s5 =	sshll.u32 s26, $0x1;
	_ =	strace $0x80000046;
	[dreg:$0x1] =	wrdreg $0xFFFFFFFF  }
0xa7: {  	s28 =	simm.s32 $_size_execute0_lowered;
	s3 =	sadd.s32 s3, s5;
	[dreg:$0x0] =	wrdreg $0x0  }
0xa8: {  	s5 =	sshll.u32 s28, $0x1;
	[dreg:$0x2] =	wrdreg s3  }
0xa9: {  	[dreg:$0x3] =	wrdreg s5  }
0xaa: {  	[dreg:$0x4] =	wrdreg $0xC0  }
0xab: {  	_ =	task [dreg:s7], $0x5FFFF  }
0xac: {  	[dreg:$0x1] =	wrdreg $0xFFFFFFFF  }
0xad: {  	[dreg:$0x0] =	wrdreg $0x60  }
0xae: {  	[dreg:$0x2] =	wrdreg s24  }
0xaf: {  	[dreg:$0x3] =	wrdreg s2  }
0xb0: {  	[dreg:$0x4] =	wrdreg $0xA  }
0xb1: {  	_ =	task.clear_ibuf [dreg:s7], $0x5FFFF;
	_ =	strace $0x90000046  }
0xb2: {  	s29 =	simm.s32 $0xA;
	_ =	strace $0x80000048  }
0xb3: {  	_ =	swait.ge [sflag:s29], $0x1  }
0xb4: {  	[sflag:s29] =	ssyncadd.s32 $0xFFFFFFFF  }
0xb5: {  	_ =	strace $0x90000048  }
0xb6: {  	_ =	sfence  }
0xb7: {  	s30 =	sld [smem:$0x0];
	_ =	sdelay $0x2  }
0xb8: {  	s31 =	sshll.u32 s1, $0xD;
	s1 =	sshrl.u32 s1, $0x2  }
0xb9: {  	s3 =	sand.u32 $0x4000, s31;
	s1 =	sadd.s32 s1, s30  }
0xba: {  	s0 =	sor.u32 s3, s0;
	s1 =	sshll.u32 s1, $0x11  }
0xbb: {  	s0 =	sor.u32 s1, s0  }
0xbc: {  	s0 =	sadd.s32 $0x8F2B, s0  }
0xbd: {  	[sflag:s0] =	ssyncadd.remote.s32 $0x1  }
0xbe: {  	_ =	sfence.sel $0xFFFF  }
0xbf: {  	[dreg:$0x0] =	wrdreg $0xFFFFFFFF;
	(pc) =	sbr.abs _section_cstart, $3  }
0xc0: {  	[dreg:$0x1] =	wrdreg $0xFFFFFFFF  }
0xc1: {  	_ =	task.clear_ibuf [dreg:s7], $0x2FFFF;
	_ =	strace $0x9FFFFFFF  }
0xc2: {  	(tm) =	ssettm $0x7FFFFFFF  }
0xc3: {  	_ =	shalt  }
tec
execute0_lowered:
.L_overlay_start_1:
0x0: {  	(tag) =	ssettag $0x1  }
0x1: {  	s1 =	srdreg.scid  }
0x2: {  	s11 =	rddreg [dreg:$0x0];
	s0 =	stileid.u32;
	s12 =	sand.u32 $0x1, s1  }
0x3: {  	s5 =	rddreg [dreg:$0x1];
	s3 =	sshll.u32 s0, $0xA;
	s4 =	sshll.u32 s12, $0x9  }
0x4: {  	s2 =	simm.s32 $0x0;
	s1 =	rddreg [dreg:$0x2];
	s13 =	sor.u32 s4, s3  }
0x5: {  	[smem:$0x7FF] =	sst s2;
	s3 =	sshrl.u32 s13, $0x3  }
0x6: {  	_ =	strace $0x80000047;
	s4 =	sadd.s32 s5, s3;
	s3 =	simm.s32 $0x3  }
0x7: {  	[tilespmem:s2], [sflag:$0x3] =	stream.linear.gather [hbm4b:s4+s2], $0x100, $0x38;
	[tilespmem:$0x10200] =	vst v63  }
0x8: {  	s14 =	sor.u32 $0x100, s13;
	_ =	swait.ge [sflag:s3], $0x100  }
0x9: {  	s6 =	sshrl.u32 s14, $0x3;
	[sflag:s3] =	ssyncset.done $0x0  }
0xa: {  	s5 =	sadd.s32 s5, s6;
	s6 =	simm.s32 $0x100;
	[sflag:s3] =	ssyncadd.s32 $0xFFFFFF00  }
0xb: {  	[tilespmem:s6], [sflag:$0x3] =	stream.linear.gather [hbm4b:s5+s2], $0x100, $0x38;
	[tilespmem:$0x10200] =	vst v63  }
0xc: {  	_ =	swait.ge [sflag:s3], $0x100  }
0xd: {  	[sflag:s3] =	ssyncset.done $0x0  }
0xe: {  	s8 =	simm.s32 $0x200;
	s7 =	sadd.s32 $0x2000, s11;
	[sflag:s3] =	ssyncadd.s32 $0xFFFFFF00  }
0xf: {  	[tilespmem:s8], [sflag:$0x1] =	stream.indirect.gather [hbm4b:s7+s6], $0x80, s2, s6, $0xb8;
	[tilespmem:$0x10200] =	vst v63  }
0x10: {  	s9 =	simm.s32 $0x8200;
	s10 =	simm.s32 $0x1  }
0x11: {  	[tilespmem:s9], [sflag:$0x2] =	stream.indirect.gather [hbm4b:s7+s6], $0x80, s6, s6, $0xb8;
	[tilespmem:$0x10200] =	vst v63  }
0x12: {  	_ =	swait.ge [sflag:s10], $0x8000  }
0x13: {  	s15 =	sadd.s32 $0x188A00, s11;
	s28 =	sshll.u32 s13, $0x4;
	[sflag:s10] =	ssyncset.done $0x0  }
0x14: {  	s29 =	ssub.s32 $0x2, s12;
	s11 =	sadd.s32 s15, s28;
	[sflag:s10] =	ssyncadd.s32 $0xFFFF8000  }
0x15: {  	[hbm4b:s11+s2] =	stream.linear.scatter [tilespmem:s8], [sflag:$0x3], $0x8000, $0x38;
	[tilespmem:$0x10200] =	vst v63  }
0x16: {  	s16 =	sshrl.u32 s29, $0x1;
	_ =	swait.ge [sflag:s3], $0x8000  }
0x17: {  	s16 =	ssub.s32 s29, s16;
	[sflag:s3] =	ssyncset.done $0x0  }
0x18: {  	s12 =	simm.s32 $0x2;
	s31 =	smax.u32 s16, $0x1;
	[sflag:s3] =	ssyncadd.s32 $0xFFFF8000  }
0x19: {  	p0 =	sne.s32 s31, $0x1;
	_ =	swait.ge [sflag:s12], $0x8000  }
.Ltmp0:
0x1a: {  	s30 =	sshll.u32 s14, $0x4;
	[sflag:s12] =	ssyncset.done $0x0;
	(pc) =	sbr.rel @!p0 .LBB2_2-.Ltmp0, $4  }
0x1b: {  	s13 =	sadd.s32 s15, s30;
	[sflag:s12] =	ssyncadd.s32 $0xFFFF8000  }
0x1c: {  	[hbm4b:s13+s2] =	stream.linear.scatter [tilespmem:s9], [sflag:$0x3], $0x8000, $0x38;
	[tilespmem:$0x10200] =	vst v63  }
0x1d: {  	_ =	swait.ge [sflag:s3], $0x8000  }
0x1e: {  	s14 =	sadd.s32 $0xFFFFFFFF, s31;
	[sflag:s3] =	ssyncset.done $0x0  }
.LBB2_1:
0x1f: {  	p0 =	sne.s32 s14, $0x1;
	s14 =	sadd.s32 $0xFFFFFFFF, s14;
	[sflag:s3] =	ssyncadd.s32 $0xFFFF8000  }
0x20: {  	[tilespmem:s2], [sflag:$0x3] =	stream.linear.gather [hbm4b:s4+s2], $0x100, $0x38;
	[tilespmem:$0x10200] =	vst v63  }
0x21: {  	_ =	swait.ge [sflag:s3], $0x100  }
0x22: {  	[sflag:s3] =	ssyncset.done $0x0  }
0x23: {  	[sflag:s3] =	ssyncadd.s32 $0xFFFFFF00  }
0x24: {  	[tilespmem:s6], [sflag:$0x3] =	stream.linear.gather [hbm4b:s5+s2], $0x100, $0x38;
	[tilespmem:$0x10200] =	vst v63  }
0x25: {  	_ =	swait.ge [sflag:s3], $0x100  }
0x26: {  	[sflag:s3] =	ssyncset.done $0x0  }
0x27: {  	[sflag:s3] =	ssyncadd.s32 $0xFFFFFF00  }
0x28: {  	[tilespmem:s8], [sflag:$0x1] =	stream.indirect.gather [hbm4b:s7+s6], $0x80, s2, s6, $0xb8;
	[tilespmem:$0x10200] =	vst v63  }
0x29: {  	_ = 	snop  }
0x2a: {  	[tilespmem:s9], [sflag:$0x2] =	stream.indirect.gather [hbm4b:s7+s6], $0x80, s6, s6, $0xb8;
	[tilespmem:$0x10200] =	vst v63  }
0x2b: {  	_ =	swait.ge [sflag:s10], $0x8000  }
0x2c: {  	[sflag:s10] =	ssyncset.done $0x0  }
0x2d: {  	[sflag:s10] =	ssyncadd.s32 $0xFFFF8000  }
0x2e: {  	[hbm4b:s11+s2] =	stream.linear.scatter [tilespmem:s8], [sflag:$0x3], $0x8000, $0x38;
	[tilespmem:$0x10200] =	vst v63  }
0x2f: {  	_ =	swait.ge [sflag:s3], $0x8000  }
0x30: {  	[sflag:s3] =	ssyncset.done $0x0  }
0x31: {  	[sflag:s3] =	ssyncadd.s32 $0xFFFF8000  }
0x32: {  	_ =	swait.ge [sflag:s12], $0x8000  }
.Ltmp1:
0x33: {  	[sflag:s12] =	ssyncset.done $0x0;
	(pc) =	sbr.rel @p0 .LBB2_1-.Ltmp1, $4  }
0x34: {  	[sflag:s12] =	ssyncadd.s32 $0xFFFF8000  }
0x35: {  	[hbm4b:s13+s2] =	stream.linear.scatter [tilespmem:s9], [sflag:$0x3], $0x8000, $0x38;
	[tilespmem:$0x10200] =	vst v63  }
0x36: {  	_ =	swait.ge [sflag:s3], $0x8000  }
0x37: {  	[sflag:s3] =	ssyncset.done $0x0  }
.LBB2_2:
0x38: {  	[sflag:s3] =	ssyncadd.s32 $0xFFFF8000  }
0x39: {  	_ =	sfence.sel $0x180000  }
0x3a: {  	[bflag:$0x0] =	sbarrier.arrive $0xFFFF  }
0x3b: {  	p0 =	sne.s32 s0, $0x0;
	_ =	strace $0x90000047  }
0x3c: {  	s0 =	sadd.s32 @!p0 $0x100000, s1;
	[bflag:$0x2] =	sbarrier.arrive $0xFFFF  }
0x3d: {  	[sflag:s0] =	ssyncadd.tile.s32 @!p0 $0x1;
	_ =	shalt  }
.Lfunc_end2:
_tile_overlayer_lowered:
.L_overlay_start_2:
0x3e: {  	(tag) =	ssettag $0x2  }
0x3f: {  	s0 =	rddreg [dreg:$0x0];
	s2 =	stileid.u32  }
0x40: {  	s1 =	rddreg [dreg:$0x1];
	p0 =	sne.s32 s2, $0x0  }
0x41: {  	s3 =	rddreg [dreg:$0x2];
	[bflag:$0x3] =	sbarrier.arrive $0xFFFF;
	s2 =	simm.s32 @!p0 $0x1C03  }
0x42: {  	[timem:s3], [sflag:s2] =	dma.local @!p0 [hbm:s0], s1  }
0x43: {  	s0 =	simm.s32 @!p0 $0x3  }
0x44: {  	_ =	swait.ge @!p0 [sflag:s0], s1  }
0x45: {  	s1 =	ssub.s32 @!p0 $0x0, s1;
	[sflag:s0] =	ssyncset.done @!p0 $0x0  }
0x46: {  	[sflag:s0] =	ssyncadd.s32 @!p0 s1  }
0x47: {  	[bflag:$0x3] =	sbarrier.arrive $0xFFFF  }
0x48: {  	_ =	shalt  }

// kernel: kernel.7.cloned.1.call-start
scs
__scs_entry_jumppad:
0x0: {  	(pc) =	sbr.rel $0x88, $3  }
0x1: {  	(tag) =	ssettag $0x0;
	lr =	simm.s32 $0x1  }
0x2: {  	[smem:$0x3F93] =	sst lr;
	_ =	strace $0xD0000000  }
0x3: {  	_ = 	snop  }
0x4: {  	_ = 	snop  }
0x5: {  	_ = 	snop  }
0x6: {  	_ = 	snop  }
0x7: {  	_ = 	snop  }
__scs_overlays_trampoline_lowered:
0x8: {  	[smem:$0x3FA2] =	sst s0  }
0x9: {  	[smem:$0x3FA3] =	sst s1  }
0xa: {  	[smem:$0x3FA4] =	sst s2  }
0xb: {  	[smem:$0x3FA5] =	sst s3  }
0xc: {  	[smem:$0x3FA6] =	sst s4  }
0xd: {  	[smem:$0x3FA7] =	sst s5  }
0xe: {  	[smem:$0x3FA8] =	sst s6  }
0xf: {  	[smem:$0x3FA9] =	sst s7  }
0x10: {  	[smem:$0x3FAA] =	sst s8  }
0x11: {  	[smem:$0x3FAB] =	sst s9;
	s0 =	simm.s32 @!p0 $0x0  }
0x12: {  	s1 =	sld [smem:$0x3F91];
	s0 =	simm.s32 @p0 $0x1  }
0x13: {  	[smem:$0x3FAC] =	sst s0;
	s0 =	simm.s32 @!p1 $0x0  }
0x14: {  	s2 =	sld [smem:$0x3F90];
	s0 =	simm.s32 @p1 $0x1  }
0x15: {  	[smem:$0x3FAD] =	sst s0;
	s0 =	simm.s32 @!p2 $0x0  }
0x16: {  	s3 =	sld [smem:$0x3FDB];
	s0 =	simm.s32 @p2 $0x1  }
0x17: {  	s4 =	simm.s32 $0x1BF5;
	[smem:$0x3FAF] =	sst s0  }
0x18: {  	s0 =	sld [smem:$0x3F92];
	_ =	swait.ge [sflag:s4], $0x0  }
0x19: {  	s7 =	sld [smem:$0x3F93]  }
0x1a: {  	s8 =	sadd.s32 $0xFFFFE003, lr  }
0x1b: {  	s9 =	sadd.s32 $0xFFFFFEF7, lr;
	s5 =	simm.s32 $0xFFFFFFFF;
	p2 =	slt.u32 s8, $0xFFFFF086  }
0x1c: {  	p1 =	slt.u32 s9, $0xF7A;
	s5 =	simm.s32 @!p2 $0x0  }
0x1d: {  	s5 =	simm.s32 @p1 $0x1;
	p0 =	seq.s32 s7, s2  }
0x1e: {  	s7 =	smul.u32 @!p0 $0xF7A, s2;
	p2 =	seq.s32 @!p0 s5, $0x0  }
0x1f: {  	s9 =	smul.u32 $0xF7A, s1;
	s8 =	simm.s32 @!p0 $0x1BF5;
	p2 =	por !p2, p0  }
0x20: {  	[sflag:s8] =	ssyncset.s32 @!p0 $0xFFFFF086;
	s6 =	sadd.s32 @!p0 s3, s7;
	s7 =	simm.s32 @!p0 $0x108  }
0x21: {  	s3 =	sadd.s32 s3, s9;
	s6 =	sadd.s32 @!p0 $0x88, s6;
	s7 =	simm.s32 @p2 $0x1082  }
0x22: {  	[simem:s7], [sflag:s8] =	dma.local @!p0 [hbm:s6], $0xF7A  }
0x23: {  	s9 =	sor.u32 $0xD0000000, s2;
	s6 =	simm.s32 $0x108;
	_ =	swait.ge @!p0 [sflag:s8], $0x0  }
0x24: {  	s3 =	sadd.s32 $0x88, s3;
	s6 =	simm.s32 @!p1 $0x1082;
	[sflag:s4] =	ssyncset.s32 $0xFFFFF086  }
0x25: {  	[simem:s6], [sflag:s4] =	dma.local [hbm:s3], $0xF7A  }
0x26: {  	[smem:$0x3F93] =	sst s1;
	(tag) =	ssettag s2;
	_ =	strace s9  }
0x27: {  	s1 =	sld [smem:$0x3FA3]  }
0x28: {  	s2 =	sld [smem:$0x3FA4]  }
0x29: {  	s4 =	sld [smem:$0x3FA6]  }
0x2a: {  	p0 =	seq.s32 s5, $0x0;
	s5 =	sld [smem:$0x3FA7]  }
0x2b: {  	s6 =	sld [smem:$0x3FA8]  }
0x2c: {  	s7 =	sld [smem:$0x3FA9]  }
0x2d: {  	s3 =	simm.s32 $0x108;
	s8 =	sld [smem:$0x3FAA]  }
0x2e: {  	s3 =	simm.s32 @!p0 $0x1082;
	s9 =	sld [smem:$0x3FAB]  }
0x2f: {  	lr =	sadd.s32 s0, s3;
	s0 =	sld [smem:$0x3FA2]  }
0x30: {  	s3 =	sld [smem:$0x3FA5]  }
0x31: {  	[smem:$0x3FAE] =	sst s10  }
0x32: {  	s10 =	sld [smem:$0x3FAC];
	_ =	sdelay $0x3  }
0x33: {  	p0 =	seq.s32 s10, $0x1;
	s10 =	sld [smem:$0x3FAE];
	_ =	sdelay $0x3  }
0x34: {  	[smem:$0x3FAE] =	sst s10  }
0x35: {  	s10 =	sld [smem:$0x3FAD];
	_ =	sdelay $0x3  }
0x36: {  	p1 =	seq.s32 s10, $0x1;
	s10 =	sld [smem:$0x3FAE];
	_ =	sdelay $0x3  }
0x37: {  	[smem:$0x3FAE] =	sst s10  }
0x38: {  	s10 =	sld [smem:$0x3FAF]  }
0x39: {  	_ = 	snop;
	(pc) =	sbr.ind lr, $3  }
0x3a: {  	_ = 	snop  }
0x3b: {  	_ = 	snop  }
0x3c: {  	p2 =	seq.s32 s10, $0x1;
	s10 =	sld [smem:$0x3FAE]  }
0x3d: {  	_ =	shalt  }
0x3e: {  	_ =	shalt  }
0x3f: {  	_ =	shalt  }
0x40: {  	_ =	shalt  }
0x41: {  	_ =	shalt  }
0x42: {  	_ =	shalt  }
0x43: {  	_ =	shalt  }
0x44: {  	_ =	shalt  }
0x45: {  	_ =	shalt  }
0x46: {  	_ =	shalt  }
0x47: {  	_ =	shalt  }
0x48: {  	_ =	shalt  }
0x49: {  	_ =	shalt  }
0x4a: {  	_ =	shalt  }
0x4b: {  	_ =	shalt  }
0x4c: {  	_ =	shalt  }
0x4d: {  	_ =	shalt  }
0x4e: {  	_ =	shalt  }
0x4f: {  	_ =	shalt  }
0x50: {  	_ =	shalt  }
0x51: {  	_ =	shalt  }
0x52: {  	_ =	shalt  }
0x53: {  	_ =	shalt  }
0x54: {  	_ =	shalt  }
0x55: {  	_ =	shalt  }
0x56: {  	_ =	shalt  }
0x57: {  	_ =	shalt  }
0x58: {  	_ =	shalt  }
0x59: {  	_ =	shalt  }
0x5a: {  	_ =	shalt  }
0x5b: {  	_ =	shalt  }
0x5c: {  	_ =	shalt  }
0x5d: {  	_ =	shalt  }
0x5e: {  	_ =	shalt  }
0x5f: {  	_ =	shalt  }
0x60: {  	_ =	shalt  }
0x61: {  	_ =	shalt  }
0x62: {  	_ =	shalt  }
0x63: {  	_ =	shalt  }
0x64: {  	_ =	shalt  }
0x65: {  	_ =	shalt  }
0x66: {  	_ =	shalt  }
0x67: {  	_ =	shalt  }
0x68: {  	_ =	shalt  }
0x69: {  	_ =	shalt  }
0x6a: {  	_ =	shalt  }
0x6b: {  	_ =	shalt  }
0x6c: {  	_ =	shalt  }
0x6d: {  	_ =	shalt  }
0x6e: {  	_ =	shalt  }
0x6f: {  	_ =	shalt  }
0x70: {  	_ =	shalt  }
0x71: {  	_ =	shalt  }
0x72: {  	_ =	shalt  }
0x73: {  	_ =	shalt  }
0x74: {  	_ =	shalt  }
0x75: {  	_ =	shalt  }
0x76: {  	_ =	shalt  }
0x77: {  	_ =	shalt  }
0x78: {  	_ =	shalt  }
0x79: {  	_ =	shalt  }
0x7a: {  	_ =	shalt  }
0x7b: {  	_ =	shalt  }
0x7c: {  	_ =	shalt  }
0x7d: {  	_ =	shalt  }
0x7e: {  	_ =	shalt  }
0x7f: {  	_ =	shalt  }
0x80: {  	_ =	shalt  }
0x81: {  	_ =	shalt  }
0x82: {  	_ =	shalt  }
0x83: {  	_ =	shalt  }
0x84: {  	_ =	shalt  }
0x85: {  	_ =	shalt  }
0x86: {  	_ =	shalt  }
0x87: {  	_ =	shalt  }
.Lfunc_end0:
.L_simem_size_0:
called_computation_lowered:
.L_overlay_start_0:
0x88: {  	s2 =	sld [smem:$0x3FD9]  }
0x89: {  	s3 =	sld [smem:$0x3FFE];
	_ =	sdelay $0x1  }
0x8a: {  	s1 =	srdreg.scid  }
0x8b: {  	s0 =	sand.u32 $0x1, s1  }
0x8c: {  	s17 =	sshll.u32 s0, $0xA;
	s2 =	sadd.s32 s3, s2  }
0x8d: {  	s2 =	sadd.s32 s2, s17  }
0x8e: {  	[smem:$0x3FBA] =	sst s2  }
0x8f: {  	_ = 	snop  }
0x90: {  	s18 =	sld [smem:$0x3FBD];
	(tm) =	ssettm $0x1  }
0x91: {  	s19 =	sld [smem:$0x3FFB];
	_ =	sdelay $0x3  }
0x92: {  	_ =	strace s19  }
0x93: {  	s2 =	sld [smem:$0x3FFC];
	_ =	sdelay $0x3  }
0x94: {  	_ =	strace s2  }
0x95: {  	s2 =	sld [smem:$0x3FFD];
	_ =	sdelay $0x3  }
0x96: {  	_ =	strace s2  }
0x97: {  	_ =	strace $0x8FFFFFFF  }
0x98: {  	s20 =	sld [smem:$0x3FDB];
	_ =	sdelay $0x1  }
0x99: {  	s4 =	simm.s32 $_scs_section_size  }
0x9a: {  	s5 =	simm.s32 $_size__tile_overlayer_lowered;
	s6 =	simm.s32 $_tile_overlayer_lowered  }
0x9b: {  	s7 =	simm.s32 $0x1BFF;
	s21 =	sshll.u32 s6, $0x1;
	s4 =	sadd.s32 s4, s20  }
0x9c: {  	s22 =	simm.s32 $0x0;
	s5 =	sshll.u32 s5, $0x1;
	s6 =	sadd.s32 s21, s4  }
0x9d: {  	[timem:s22], [sflag:s7] =	dma.local [hbm:s6], s5  }
0x9e: {  	_ =	swait.ge [sflag:s7], s5  }
0x9f: {  	s5 =	ssub.s32 $0x0, s5;
	[sflag:s7] =	ssyncset.done $0x0  }
0xa0: {  	[sflag:s7] =	ssyncadd.s32 s5;
	_ =	sdelay $0x1  }
0xa1: {  	s23 =	simm.s32 $0x1B8B  }
0xa2: {  	_ =	swait.ge [sflag:s23], $0x1  }
0xa3: {  	[sflag:s23] =	ssyncset.done $0x0  }
0xa4: {  	[sflag:s23] =	ssyncadd.s32 $0xFFFFFFFF  }
0xa5: {  	s5 =	sld [smem:$0x0]  }
0xa6: {  	s6 =	sand.u32 $0xFFFFFFFE, s1  }
0xa7: {  	p0 =	sne.s32 s1, s6  }
0xa8: {  	s6 =	sshll.u32 @p0 s6, $0xE  }
0xa9: {  	s6 =	sadd.s32 @p0 $0x11B8D, s6;
	s7 =	sshll.u32 @p0 s5, $0x11  }
0xaa: {  	s6 =	sor.u32 @p0 s7, s6  }
0xab: {  	[sflag:s6] =	ssyncadd.remote.s32 @p0 $0x1;
	_ =	sdelay $0x1  }
0xac: {  	s6 =	simm.s32 @p0 $0x1B8D  }
0xad: {  	_ =	swait.eq @p0 [sflag:s6], $0x1  }
0xae: {  	[sflag:s6] =	ssyncadd.s32 @p0 $0xFFFFFFFF  }
0xaf: {  	s7 =	sshll.u32 @!p0 s1, $0xE  }
0xb0: {  	s7 =	sor.u32 @!p0 $0x4000, s7;
	s6 =	simm.s32 @!p0 $0x1B8D  }
0xb1: {  	s5 =	sshll.u32 @!p0 s5, $0x11;
	s7 =	sadd.s32 @!p0 $0x11B8D, s7;
	_ =	swait.eq @!p0 [sflag:s6], $0x1  }
0xb2: {  	s5 =	sor.u32 @!p0 s5, s7;
	[sflag:s6] =	ssyncadd.s32 @!p0 $0xFFFFFFFF  }
0xb3: {  	s25 =	simm.s32 $0x1B8E;
	s24 =	sld [smem:$0x3FFE];
	[sflag:s5] =	ssyncadd.remote.s32 @!p0 $0x1  }
0xb4: {  	s26 =	simm.s32 $execute0_lowered;
	[smem:$0x3FD2] =	sst s25  }
0xb5: {  	s6 =	sshll.u32 s26, $0x1;
	_ =	strace $0x80000049;
	[dreg:$0x1] =	wrdreg $0xFFFFFFFF  }
0xb6: {  	s28 =	simm.s32 $_size_execute0_lowered;
	s4 =	sadd.s32 s4, s6;
	[dreg:$0x0] =	wrdreg $0x0  }
0xb7: {  	s6 =	sshll.u32 s28, $0x1;
	[dreg:$0x2] =	wrdreg s4  }
0xb8: {  	[dreg:$0x3] =	wrdreg s6  }
0xb9: {  	[dreg:$0x4] =	wrdreg $0xC0  }
0xba: {  	_ =	task [dreg:s22], $0x5FFFF  }
0xbb: {  	[dreg:$0x1] =	wrdreg $0xFFFFFFFF  }
0xbc: {  	[dreg:$0x0] =	wrdreg $0x60  }
0xbd: {  	[dreg:$0x2] =	wrdreg s24  }
0xbe: {  	[dreg:$0x3] =	wrdreg s18  }
0xbf: {  	[dreg:$0x4] =	wrdreg $0x9  }
0xc0: {  	_ =	task.clear_ibuf [dreg:s22], $0x5FFFF;
	_ =	strace $0x90000049  }
0xc1: {  	s29 =	simm.s32 $0x9;
	_ =	strace $0x8000004B  }
0xc2: {  	_ =	swait.ge [sflag:s29], $0x1  }
0xc3: {  	[sflag:s29] =	ssyncadd.s32 $0xFFFFFFFF  }
0xc4: {  	_ =	strace $0x9000004B  }
0xc5: {  	_ =	sfence  }
0xc6: {  	s30 =	sld [smem:$0x0];
	_ =	sdelay $0x2  }
0xc7: {  	s31 =	sshll.u32 s1, $0xD;
	s1 =	sshrl.u32 s1, $0x2  }
0xc8: {  	s4 =	sand.u32 $0x4000, s31;
	s1 =	sadd.s32 s1, s30  }
0xc9: {  	s0 =	sor.u32 s4, s0;
	s1 =	sshll.u32 s1, $0x11  }
0xca: {  	s0 =	sor.u32 s1, s0  }
0xcb: {  	s0 =	sadd.s32 $0x8F2B, s0  }
0xcc: {  	[sflag:s0] =	ssyncadd.remote.s32 $0x1  }
0xcd: {  	_ =	sfence.sel $0xFFFF  }
0xce: {  	[dreg:$0x0] =	wrdreg $0xFFFFFFFF;
	(pc) =	sbr.abs _section_cstart, $3  }
0xcf: {  	[dreg:$0x1] =	wrdreg $0xFFFFFFFF  }
0xd0: {  	_ =	task.clear_ibuf [dreg:s22], $0x2FFFF;
	_ =	strace $0x9FFFFFFF  }
0xd1: {  	(tm) =	ssettm $0x7FFFFFFF  }
tec
execute0_lowered:
.L_overlay_start_1:
0x0: {  	(tag) =	ssettag $0x1  }
0x1: {  	s1 =	srdreg.scid  }
0x2: {  	s11 =	rddreg [dreg:$0x0];
	s0 =	stileid.u32;
	s12 =	sand.u32 $0x1, s1  }
0x3: {  	s5 =	rddreg [dreg:$0x1];
	s3 =	sshll.u32 s0, $0xA;
	s4 =	sshll.u32 s12, $0x9  }
0x4: {  	s2 =	simm.s32 $0x0;
	s1 =	rddreg [dreg:$0x2];
	s13 =	sor.u32 s4, s3  }
0x5: {  	[smem:$0x7FF] =	sst s2;
	s3 =	sshrl.u32 s13, $0x3  }
0x6: {  	_ =	strace $0x8000004A;
	s4 =	sadd.s32 s5, s3;
	s3 =	simm.s32 $0x3  }
0x7: {  	[tilespmem:s2], [sflag:$0x3] =	stream.linear.gather [hbm4b:s4+s2], $0x100, $0x38;
	[tilespmem:$0x10200] =	vst v63  }
0x8: {  	s14 =	sor.u32 $0x100, s13;
	_ =	swait.ge [sflag:s3], $0x100  }
0x9: {  	s6 =	sshrl.u32 s14, $0x3;
	[sflag:s3] =	ssyncset.done $0x0  }
0xa: {  	s5 =	sadd.s32 s5, s6;
	s6 =	simm.s32 $0x100;
	[sflag:s3] =	ssyncadd.s32 $0xFFFFFF00  }
0xb: {  	[tilespmem:s6], [sflag:$0x3] =	stream.linear.gather [hbm4b:s5+s2], $0x100, $0x38;
	[tilespmem:$0x10200] =	vst v63  }
0xc: {  	_ =	swait.ge [sflag:s3], $0x100  }
0xd: {  	[sflag:s3] =	ssyncset.done $0x0  }
0xe: {  	s8 =	simm.s32 $0x200;
	s7 =	sadd.s32 $0x1C8A00, s11;
	[sflag:s3] =	ssyncadd.s32 $0xFFFFFF00  }
0xf: {  	[tilespmem:s8], [sflag:$0x1] =	stream.indirect.gather [hbm4b:s7+s6], $0x80, s2, s6, $0xb8;
	[tilespmem:$0x10200] =	vst v63  }
0x10: {  	s9 =	simm.s32 $0x8200;
	s10 =	simm.s32 $0x1  }
0x11: {  	[tilespmem:s9], [sflag:$0x2] =	stream.indirect.gather [hbm4b:s7+s6], $0x80, s6, s6, $0xb8;
	[tilespmem:$0x10200] =	vst v63  }
0x12: {  	_ =	swait.ge [sflag:s10], $0x8000  }
0x13: {  	s15 =	sadd.s32 $0x34F400, s11;
	s28 =	sshll.u32 s13, $0x4;
	[sflag:s10] =	ssyncset.done $0x0  }
0x14: {  	s29 =	ssub.s32 $0x2, s12;
	s11 =	sadd.s32 s15, s28;
	[sflag:s10] =	ssyncadd.s32 $0xFFFF8000  }
0x15: {  	[hbm4b:s11+s2] =	stream.linear.scatter [tilespmem:s8], [sflag:$0x3], $0x8000, $0x38;
	[tilespmem:$0x10200] =	vst v63  }
0x16: {  	s16 =	sshrl.u32 s29, $0x1;
	_ =	swait.ge [sflag:s3], $0x8000  }
0x17: {  	s16 =	ssub.s32 s29, s16;
	[sflag:s3] =	ssyncset.done $0x0  }
0x18: {  	s12 =	simm.s32 $0x2;
	s31 =	smax.u32 s16, $0x1;
	[sflag:s3] =	ssyncadd.s32 $0xFFFF8000  }
0x19: {  	p0 =	sne.s32 s31, $0x1;
	_ =	swait.ge [sflag:s12], $0x8000  }
.Ltmp0:
0x1a: {  	s30 =	sshll.u32 s14, $0x4;
	[sflag:s12] =	ssyncset.done $0x0;
	(pc) =	sbr.rel @!p0 .LBB2_2-.Ltmp0, $4  }
0x1b: {  	s13 =	sadd.s32 s15, s30;
	[sflag:s12] =	ssyncadd.s32 $0xFFFF8000  }
0x1c: {  	[hbm4b:s13+s2] =	stream.linear.scatter [tilespmem:s9], [sflag:$0x3], $0x8000, $0x38;
	[tilespmem:$0x10200] =	vst v63  }
0x1d: {  	_ =	swait.ge [sflag:s3], $0x8000  }
0x1e: {  	s14 =	sadd.s32 $0xFFFFFFFF, s31;
	[sflag:s3] =	ssyncset.done $0x0  }
.LBB2_1:
0x1f: {  	p0 =	sne.s32 s14, $0x1;
	s14 =	sadd.s32 $0xFFFFFFFF, s14;
	[sflag:s3] =	ssyncadd.s32 $0xFFFF8000  }
0x20: {  	[tilespmem:s2], [sflag:$0x3] =	stream.linear.gather [hbm4b:s4+s2], $0x100, $0x38;
	[tilespmem:$0x10200] =	vst v63  }
0x21: {  	_ =	swait.ge [sflag:s3], $0x100  }
0x22: {  	[sflag:s3] =	ssyncset.done $0x0  }
0x23: {  	[sflag:s3] =	ssyncadd.s32 $0xFFFFFF00  }
0x24: {  	[tilespmem:s6], [sflag:$0x3] =	stream.linear.gather [hbm4b:s5+s2], $0x100, $0x38;
	[tilespmem:$0x10200] =	vst v63  }
0x25: {  	_ =	swait.ge [sflag:s3], $0x100  }
0x26: {  	[sflag:s3] =	ssyncset.done $0x0  }
0x27: {  	[sflag:s3] =	ssyncadd.s32 $0xFFFFFF00  }
0x28: {  	[tilespmem:s8], [sflag:$0x1] =	stream.indirect.gather [hbm4b:s7+s6], $0x80, s2, s6, $0xb8;
	[tilespmem:$0x10200] =	vst v63  }
0x29: {  	_ = 	snop  }
0x2a: {  	[tilespmem:s9], [sflag:$0x2] =	stream.indirect.gather [hbm4b:s7+s6], $0x80, s6, s6, $0xb8;
	[tilespmem:$0x10200] =	vst v63  }
0x2b: {  	_ =	swait.ge [sflag:s10], $0x8000  }
0x2c: {  	[sflag:s10] =	ssyncset.done $0x0  }
0x2d: {  	[sflag:s10] =	ssyncadd.s32 $0xFFFF8000  }
0x2e: {  	[hbm4b:s11+s2] =	stream.linear.scatter [tilespmem:s8], [sflag:$0x3], $0x8000, $0x38;
	[tilespmem:$0x10200] =	vst v63  }
0x2f: {  	_ =	swait.ge [sflag:s3], $0x8000  }
0x30: {  	[sflag:s3] =	ssyncset.done $0x0  }
0x31: {  	[sflag:s3] =	ssyncadd.s32 $0xFFFF8000  }
0x32: {  	_ =	swait.ge [sflag:s12], $0x8000  }
.Ltmp1:
0x33: {  	[sflag:s12] =	ssyncset.done $0x0;
	(pc) =	sbr.rel @p0 .LBB2_1-.Ltmp1, $4  }
0x34: {  	[sflag:s12] =	ssyncadd.s32 $0xFFFF8000  }
0x35: {  	[hbm4b:s13+s2] =	stream.linear.scatter [tilespmem:s9], [sflag:$0x3], $0x8000, $0x38;
	[tilespmem:$0x10200] =	vst v63  }
0x36: {  	_ =	swait.ge [sflag:s3], $0x8000  }
0x37: {  	[sflag:s3] =	ssyncset.done $0x0  }
.LBB2_2:
0x38: {  	[sflag:s3] =	ssyncadd.s32 $0xFFFF8000  }
0x39: {  	_ =	sfence.sel $0x180000  }
0x3a: {  	[bflag:$0x0] =	sbarrier.arrive $0xFFFF  }
0x3b: {  	p0 =	sne.s32 s0, $0x0;
	_ =	strace $0x9000004A  }
0x3c: {  	s0 =	sadd.s32 @!p0 $0x100000, s1;
	[bflag:$0x2] =	sbarrier.arrive $0xFFFF  }
0x3d: {  	[sflag:s0] =	ssyncadd.tile.s32 @!p0 $0x1;
	_ =	shalt  }
.Lfunc_end2:
_tile_overlayer_lowered:
.L_overlay_start_2:
0x3e: {  	(tag) =	ssettag $0x2  }
0x3f: {  	s0 =	rddreg [dreg:$0x0];
	s2 =	stileid.u32  }
0x40: {  	s1 =	rddreg [dreg:$0x1];
	p0 =	sne.s32 s2, $0x0  }
0x41: {  	s3 =	rddreg [dreg:$0x2];
	[bflag:$0x3] =	sbarrier.arrive $0xFFFF;
	s2 =	simm.s32 @!p0 $0x1C03  }
0x42: {  	[timem:s3], [sflag:s2] =	dma.local @!p0 [hbm:s0], s1  }
0x43: {  	s0 =	simm.s32 @!p0 $0x3  }
0x44: {  	_ =	swait.ge @!p0 [sflag:s0], s1  }
0x45: {  	s1 =	ssub.s32 @!p0 $0x0, s1;
	[sflag:s0] =	ssyncset.done @!p0 $0x0  }
0x46: {  	[sflag:s0] =	ssyncadd.s32 @!p0 s1  }
0x47: {  	[bflag:$0x3] =	sbarrier.arrive $0xFFFF  }
0x48: {  	_ =	shalt  }

</sc_bundles>
